<compile_context>
chip_gen: v7x
topology: tpu7x:2x2x1
jax: 0.10.2.dev20260603
libtpu: 0.0.44.dev20260713+nightly
codegen_flags: <defaults>
</compile_context>

<pallas_src>
import jax
import jax.numpy as jnp
from jax import lax
from jax.experimental import pallas as pl
from jax.experimental.pallas import tpu as pltpu
from jax.experimental.pallas import tpu_sc as plsc

N = 10000
E = 320000
D = 128
H = 8
DH = 16

NC = 2
NS = 16
NW = NC * NS
EPT = E // NW
C = 40
NCHUNK = EPT // C
NP = 10240
RPT = NP // NS



def _qkv_body(x_ref, wq_ref, bq_ref, wk_ref, bk_ref, wv_ref, bv_ref,
              q_ref, k_ref, v_ref):
    xx = x_ref[...]
    q_ref[...] = jnp.dot(xx, wq_ref[...], preferred_element_type=jnp.float32) + bq_ref[...]
    k_ref[...] = jnp.dot(xx, wk_ref[...], preferred_element_type=jnp.float32) + bk_ref[...]
    v_ref[...] = jnp.dot(xx, wv_ref[...], preferred_element_type=jnp.float32) + bv_ref[...]


def _qkv(x, Wq, bq, Wk, bk, Wv, bv):
    BN = 2000
    w_spec = pl.BlockSpec((D, D), lambda i: (0, 0))
    b_spec = pl.BlockSpec((1, D), lambda i: (0, 0))
    r_spec = pl.BlockSpec((BN, D), lambda i: (i, 0))
    return pl.pallas_call(
        _qkv_body,
        grid=(N // BN,),
        in_specs=[r_spec, w_spec, b_spec, w_spec, b_spec, w_spec, b_spec],
        out_specs=[r_spec, r_spec, r_spec],
        out_shape=[jax.ShapeDtypeStruct((N, D), jnp.float32)] * 3,
    )(x, Wq, bq, Wk, bk, Wv, bv)



def _ep_body(e_ref, w_ref, b_ref, o_ref):
    o_ref[...] = jnp.dot(e_ref[...], w_ref[...], preferred_element_type=jnp.float32) + b_ref[...]


def _ep(e, We, be):
    BE = 8000
    return pl.pallas_call(
        _ep_body,
        grid=(E // BE,),
        in_specs=[pl.BlockSpec((BE, D), lambda i: (i, 0)),
                  pl.BlockSpec((D, D), lambda i: (0, 0)),
                  pl.BlockSpec((1, D), lambda i: (0, 0))],
        out_specs=pl.BlockSpec((BE, D), lambda i: (i, 0)),
        out_shape=jax.ShapeDtypeStruct((E, D), jnp.float32),
    )(e, We, be)



def _edge_body(q_hbm, k_hbm, v_hbm, ep_hbm, src_hbm, dst_hbm, acc_out, den_out,
               idx_s, idx_d, qb, kb, vb, eb, pb, acc_sh, den_sh, sem):
    c = lax.axis_index("c")
    s = lax.axis_index("s")
    lanes = lax.broadcasted_iota(jnp.int32, (16,), 0)
    zl = lanes * 0
    zv = jnp.zeros((16,), jnp.float32)

    r0 = s * RPT

    def zrow(i, _):
        for jj in range(H):
            qb[i, pl.ds(DH * jj, DH)] = zv
        pb[i, :] = zv
        return 0

    lax.fori_loop(0, C, zrow, 0)

    def zinit(t, _):
        pltpu.async_copy(qb, acc_sh.at[pl.ds(r0 + t * C, C)], sem).wait()
        pltpu.async_copy(pb, den_sh.at[pl.ds(r0 + t * C, C)], sem).wait()
        return 0

    lax.fori_loop(0, RPT // C, zinit, 0)
    plsc.subcore_barrier()

    e0 = (c * NS + s) * EPT

    def edge_one(i, _):
        l = jnp.zeros((16,), jnp.float32)
        for h in range(H):
            sl = pl.ds(DH * h, DH)
            prod = qb[i, sl] * kb[i, sl] * eb[i, sl]
            for m in (8, 4, 2, 1):
                prod = prod + prod.at[lanes ^ m].get(mode="promise_in_bounds", unique_indices=True)
            l = jnp.where(lanes == h, prod, l)
        l = jnp.clip(l * 0.25, -5.0, 5.0)
        p = jnp.where(lanes < H, jnp.exp(l), 0.0)
        pb[i, :] = p
        for h in range(H):
            sl = pl.ds(DH * h, DH)
            ph = p.at[zl + h].get(mode="promise_in_bounds")
            kb[i, sl] = ph * vb[i, sl]
        return 0

    def chunk(g, _):
        base = e0 + g * C
        ci = pltpu.async_copy(src_hbm.at[pl.ds(base, C)], idx_s, sem)
        cj = pltpu.async_copy(dst_hbm.at[pl.ds(base, C)], idx_d, sem)
        ci.wait()
        cj.wait()
        cq = pltpu.async_copy(q_hbm.at[idx_d], qb, sem)
        ck = pltpu.async_copy(k_hbm.at[idx_s], kb, sem)
        cv = pltpu.async_copy(v_hbm.at[idx_s], vb, sem)
        ce = pltpu.async_copy(ep_hbm.at[pl.ds(base, C)], eb, sem)
        cq.wait()
        ck.wait()
        cv.wait()
        ce.wait()
        lax.fori_loop(0, C, edge_one, 0)
        s1 = pltpu.async_copy(kb, acc_sh.at[idx_d], sem, add=True)
        s2 = pltpu.async_copy(pb, den_sh.at[idx_d], sem, add=True)
        s1.wait()
        s2.wait()
        return 0

    lax.fori_loop(0, NCHUNK, chunk, 0)

    plsc.subcore_barrier()

    def wb(t, _):
        rr = r0 + t * C
        pltpu.async_copy(acc_sh.at[pl.ds(rr, C)], qb, sem).wait()
        pltpu.async_copy(qb, acc_out.at[c, pl.ds(rr, C)], sem).wait()
        pltpu.async_copy(den_sh.at[pl.ds(rr, C)], pb, sem).wait()
        pltpu.async_copy(pb, den_out.at[c, pl.ds(rr, C)], sem).wait()
        return 0

    lax.fori_loop(0, RPT // C, wb, 0)


def _edge_pass(q, k, v, ep, src, dst):
    mesh = plsc.VectorSubcoreMesh(core_axis_name="c", subcore_axis_name="s",
                                  num_cores=NC, num_subcores=NS)
    fn = pl.kernel(
        _edge_body,
        out_type=[jax.ShapeDtypeStruct((NC, NP, D), jnp.float32),
                  jax.ShapeDtypeStruct((NC, NP, DH), jnp.float32)],
        mesh=mesh,
        compiler_params=pltpu.CompilerParams(use_tc_tiling_on_sc=False),
        scratch_types=[
            pltpu.VMEM((C,), jnp.int32),
            pltpu.VMEM((C,), jnp.int32),
            pltpu.VMEM((C, D), jnp.float32),
            pltpu.VMEM((C, D), jnp.float32),
            pltpu.VMEM((C, D), jnp.float32),
            pltpu.VMEM((C, D), jnp.float32),
            pltpu.VMEM((C, DH), jnp.float32),
            pltpu.VMEM_SHARED((NP, D), jnp.float32),
            pltpu.VMEM_SHARED((NP, DH), jnp.float32),
            pltpu.SemaphoreType.DMA,
        ],
    )
    return fn(q, k, v, ep, src, dst)



def _fin_body(acc_ref, den_ref, x_ref, wo_ref, bo_ref, g_ref, b_ref, o_ref):
    den = den_ref[0] + den_ref[1]
    acc = acc_ref[0] + acc_ref[1]
    row = lax.broadcasted_iota(jnp.int32, (DH, D), 0)
    col = lax.broadcasted_iota(jnp.int32, (DH, D), 1)
    erep = (col // DH == row).astype(jnp.float32)
    den128 = jnp.dot(den, erep, preferred_element_type=jnp.float32)
    attn = acc / (den128 + 1e-16)
    out = (jnp.dot(attn, wo_ref[...], preferred_element_type=jnp.float32)
           + bo_ref[...] + x_ref[...])
    mu = jnp.mean(out, axis=1, keepdims=True)
    dlt = out - mu
    var = jnp.mean(dlt * dlt, axis=1, keepdims=True)
    o_ref[...] = dlt * lax.rsqrt(var + 1e-5) * g_ref[...] + b_ref[...]


def _final(acc2, den2, x, Wo, bo, ln_g, ln_b):
    BN = 2000
    return pl.pallas_call(
        _fin_body,
        grid=(N // BN,),
        in_specs=[pl.BlockSpec((NC, BN, D), lambda i: (0, i, 0)),
                  pl.BlockSpec((NC, BN, DH), lambda i: (0, i, 0)),
                  pl.BlockSpec((BN, D), lambda i: (i, 0)),
                  pl.BlockSpec((D, D), lambda i: (0, 0)),
                  pl.BlockSpec((1, D), lambda i: (0, 0)),
                  pl.BlockSpec((1, D), lambda i: (0, 0)),
                  pl.BlockSpec((1, D), lambda i: (0, 0))],
        out_specs=pl.BlockSpec((BN, D), lambda i: (i, 0)),
        out_shape=jax.ShapeDtypeStruct((N, D), jnp.float32),
    )(acc2, den2, x, Wo, bo, ln_g, ln_b)



def kernel(x, e, edge_index, Wq, bq, Wk, bk, Wv, bv, We, be, Wo, bo, ln_g, ln_b):
    ei = edge_index.astype(jnp.int32)
    src = ei[0]
    dst = ei[1]
    q, k, v = _qkv(x, Wq, bq.reshape(1, D), Wk, bk.reshape(1, D),
                   Wv, bv.reshape(1, D))
    ep = _ep(e, We, be.reshape(1, D))
    acc2, den2 = _edge_pass(q, k, v, ep, src, dst)
    return _final(acc2, den2, x, Wo, bo.reshape(1, D),
                  ln_g.reshape(1, D), ln_b.reshape(1, D))

# --- scband reference (transcript-rebuilt; emitter-appended) ---
"""Pipeline reference for scband-graph-transformer-6339371729568 (READ-ONLY COPY).

The authoritative reference and input builder live on the scoring server;
editing this copy changes nothing except your own understanding.
"""

import jax, jax.numpy as jnp
import numpy as np

N = 10000
E = 320000
D = 128
H = 8
DH = D // H


def _lin_init(k, fan_in, shape):
    bound = 1.0 / np.sqrt(fan_in)
    return jax.random.uniform(k, shape, jnp.float32, -bound, bound)


def setup_inputs(seed: int = 0):
    key = jax.random.key(seed)
    ks = jax.random.split(key, 16)
    inp = {}
    inp['x'] = jax.random.normal(ks[0], (N, D), dtype=jnp.float32)
    inp['e'] = jax.random.normal(ks[1], (E, D), dtype=jnp.float32)
    inp['edge_index'] = jax.random.randint(ks[2], (2, E), 0, N).astype(jnp.int64)
    inp['Wq'] = _lin_init(ks[3], D, (D, D))
    inp['bq'] = _lin_init(ks[4], D, (D,))
    inp['Wk'] = _lin_init(ks[5], D, (D, D))
    inp['bk'] = _lin_init(ks[6], D, (D,))
    inp['Wv'] = _lin_init(ks[7], D, (D, D))
    inp['bv'] = _lin_init(ks[8], D, (D,))
    inp['We'] = _lin_init(ks[9], D, (D, D))
    inp['be'] = _lin_init(ks[10], D, (D,))
    inp['Wo'] = _lin_init(ks[11], D, (D, D))
    inp['bo'] = _lin_init(ks[12], D, (D,))
    inp['ln_g'] = jnp.ones((D,), jnp.float32)
    inp['ln_b'] = jnp.zeros((D,), jnp.float32)
    return inp


def reference(x, e, edge_index, Wq, bq, Wk, bk, Wv, bv, We, be, Wo, bo, ln_g, ln_b):
    src = edge_index[0]
    dst = edge_index[1]
    q = (x @ Wq + bq).reshape(N, H, DH)
    k = (x @ Wk + bk).reshape(N, H, DH)
    v = (x @ Wv + bv).reshape(N, H, DH)
    ep = (e @ We + be).reshape(E, H, DH)
    # per-edge per-head attention logits: (Q[dst] * K[src] * E_proj).sum(-1) / sqrt(dh)
    sc = (q[dst] * k[src] * ep) / jnp.sqrt(jnp.float32(DH))
    logits = jnp.clip(sc.sum(-1), -5.0, 5.0)  # [E, H]
    # numerically-stable segment softmax over incoming edges per dst node
    m = jax.ops.segment_max(logits, dst, num_segments=N)
    m = jnp.where(jnp.isfinite(m), m, 0.0)
    ex = jnp.exp(logits - m[dst])
    denom = jax.ops.segment_sum(ex, dst, num_segments=N)
    alpha = ex / (denom[dst] + 1e-16)
    msg = alpha[:, :, None] * v[src]  # [E, H, DH]
    attn = jax.ops.segment_sum(msg, dst, num_segments=N).reshape(N, D)
    # dropout(p=0.1) is identity in eval mode
    out = attn @ Wo + bo + x
    mu = jnp.mean(out, axis=-1, keepdims=True)
    var = jnp.var(out, axis=-1, keepdims=True)
    out = (out - mu) / jnp.sqrt(var + 1e-5) * ln_g + ln_b
    return out

if __name__ == "__main__":
    import jax
    _d = setup_inputs()
    print(jax.jit(kernel)(*tuple(_d.values())))

</pallas_src>

<mosaic_0001>
#map = affine_map<(d0, d1) -> (0, 0)>
#map1 = affine_map<(d0, d1) -> (0)>
#map2 = affine_map<(d0, d1) -> (0, 0, 0)>
module attributes {stable_mosaic.version = 14 : i64} {
  func.func @_edge_body(%arg0: i32, %arg1: i32, %arg2: memref<10000x128xf32, #tpu.memory_space<hbm>>, %arg3: memref<10000x128xf32, #tpu.memory_space<hbm>>, %arg4: memref<10000x128xf32, #tpu.memory_space<hbm>>, %arg5: memref<320000x128xf32, #tpu.memory_space<hbm>>, %arg6: memref<320000xi32, #tpu.memory_space<hbm>>, %arg7: memref<320000xi32, #tpu.memory_space<hbm>>, %arg8: memref<2x10240x128xf32, #tpu.memory_space<hbm>>, %arg9: memref<2x10240x16xf32, #tpu.memory_space<hbm>>, %arg10: memref<40xi32, #tpu.memory_space<vmem>>, %arg11: memref<40xi32, #tpu.memory_space<vmem>>, %arg12: memref<40x128xf32, #tpu.memory_space<vmem>>, %arg13: memref<40x128xf32, #tpu.memory_space<vmem>>, %arg14: memref<40x128xf32, #tpu.memory_space<vmem>>, %arg15: memref<40x128xf32, #tpu.memory_space<vmem>>, %arg16: memref<40x16xf32, #tpu.memory_space<vmem>>, %arg17: memref<10240x128xf32, #tpu.memory_space<vmem_shared>>, %arg18: memref<10240x16xf32, #tpu.memory_space<vmem_shared>>, %arg19: memref<!tpu.dma_semaphore, #tpu.memory_space<semaphore_mem>>) attributes {dimension_semantics = [#tpu.dimension_semantics<core_parallel>, #tpu.dimension_semantics<subcore_parallel>], iteration_bounds = array<i64: 2, 16>, scalar_prefetch = 0 : i64, scratch_operands = 10 : i64, tpu.core_type = #tpu.core_type<sc_vector_subcore>, window_params = [{transform_indices = #map}, {transform_indices = #map}, {transform_indices = #map}, {transform_indices = #map}, {transform_indices = #map1}, {transform_indices = #map1}, {transform_indices = #map2}, {transform_indices = #map2}]} {
    %iota3A = tpu.iota {dimensions = array<i32: 0>} : vector<16xi32>
    %mul3A = arith.constant 0 : i32
    %mul3A_0 = vector.broadcast %mul3A : i32 to vector<16xi32>
    %mul3A_1 = arith.muli %iota3A, %mul3A_0 : vector<16xi32>
    %broadcast_in_dim3A = arith.constant 0.000000e+00 : f32
    %broadcast_in_dim3A_2 = vector.broadcast %broadcast_in_dim3A : f32 to vector<16xf32>
    %mul3A_3 = arith.constant 640 : i32
    %mul3A_4 = arith.muli %arg1, %mul3A_3 : i32
    %scan3A = arith.constant 0 : i32
    %scan3A_5 = arith.constant 0 : i32
    %scan3A_6 = arith.constant 40 : i32
    %scan3A_7 = arith.addi %scan3A_5, %scan3A_6 : i32
    %scan3A_8 = arith.constant 1 : i32
    %scan3A_9 = scf.for %scan3A_37 = %scan3A_5 to %scan3A_7 step %scan3A_8 iter_args(%scan3A_38 = %scan3A) -> (i32)  : i32 {
      %swap3A = arith.index_cast %scan3A_37 : i32 to index
      %swap3A_39 = arith.constant 0 : index
      %swap3A_40 = tpu.vector_load %arg12[%swap3A, %swap3A_39] {strides = array<i32>} : memref<40x128xf32, #tpu.memory_space<vmem>>, vector<1x16xf32>,
      %swap3A_41 = vector.shape_cast %swap3A_40 : vector<1x16xf32> to vector<16xf32>
      %swap3A_42 = vector.shape_cast %broadcast_in_dim3A_2 : vector<16xf32> to vector<1x16xf32>
      tpu.vector_store %arg12[%swap3A, %swap3A_39], %swap3A_42 {strides = array<i32>} : memref<40x128xf32, #tpu.memory_space<vmem>>, vector<1x16xf32>,
      %swap3A_43 = arith.index_cast %scan3A_37 : i32 to index
      %swap3A_44 = arith.constant 16 : index
      %swap3A_45 = tpu.vector_load %arg12[%swap3A_43, %swap3A_44] {strides = array<i32>} : memref<40x128xf32, #tpu.memory_space<vmem>>, vector<1x16xf32>,
      %swap3A_46 = vector.shape_cast %swap3A_45 : vector<1x16xf32> to vector<16xf32>
      %swap3A_47 = vector.shape_cast %broadcast_in_dim3A_2 : vector<16xf32> to vector<1x16xf32>
      tpu.vector_store %arg12[%swap3A_43, %swap3A_44], %swap3A_47 {strides = array<i32>} : memref<40x128xf32, #tpu.memory_space<vmem>>, vector<1x16xf32>,
      %swap3A_48 = arith.index_cast %scan3A_37 : i32 to index
      %swap3A_49 = arith.constant 32 : index
      %swap3A_50 = tpu.vector_load %arg12[%swap3A_48, %swap3A_49] {strides = array<i32>} : memref<40x128xf32, #tpu.memory_space<vmem>>, vector<1x16xf32>,
      %swap3A_51 = vector.shape_cast %swap3A_50 : vector<1x16xf32> to vector<16xf32>
      %swap3A_52 = vector.shape_cast %broadcast_in_dim3A_2 : vector<16xf32> to vector<1x16xf32>
      tpu.vector_store %arg12[%swap3A_48, %swap3A_49], %swap3A_52 {strides = array<i32>} : memref<40x128xf32, #tpu.memory_space<vmem>>, vector<1x16xf32>,
      %swap3A_53 = arith.index_cast %scan3A_37 : i32 to index
      %swap3A_54 = arith.constant 48 : index
      %swap3A_55 = tpu.vector_load %arg12[%swap3A_53, %swap3A_54] {strides = array<i32>} : memref<40x128xf32, #tpu.memory_space<vmem>>, vector<1x16xf32>,
      %swap3A_56 = vector.shape_cast %swap3A_55 : vector<1x16xf32> to vector<16xf32>
      %swap3A_57 = vector.shape_cast %broadcast_in_dim3A_2 : vector<16xf32> to vector<1x16xf32>
      tpu.vector_store %arg12[%swap3A_53, %swap3A_54], %swap3A_57 {strides = array<i32>} : memref<40x128xf32, #tpu.memory_space<vmem>>, vector<1x16xf32>,
      %swap3A_58 = arith.index_cast %scan3A_37 : i32 to index
      %swap3A_59 = arith.constant 64 : index
      %swap3A_60 = tpu.vector_load %arg12[%swap3A_58, %swap3A_59] {strides = array<i32>} : memref<40x128xf32, #tpu.memory_space<vmem>>, vector<1x16xf32>,
      %swap3A_61 = vector.shape_cast %swap3A_60 : vector<1x16xf32> to vector<16xf32>
      %swap3A_62 = vector.shape_cast %broadcast_in_dim3A_2 : vector<16xf32> to vector<1x16xf32>
      tpu.vector_store %arg12[%swap3A_58, %swap3A_59], %swap3A_62 {strides = array<i32>} : memref<40x128xf32, #tpu.memory_space<vmem>>, vector<1x16xf32>,
      %swap3A_63 = arith.index_cast %scan3A_37 : i32 to index
      %swap3A_64 = arith.constant 80 : index
      %swap3A_65 = tpu.vector_load %arg12[%swap3A_63, %swap3A_64] {strides = array<i32>} : memref<40x128xf32, #tpu.memory_space<vmem>>, vector<1x16xf32>,
      %swap3A_66 = vector.shape_cast %swap3A_65 : vector<1x16xf32> to vector<16xf32>
      %swap3A_67 = vector.shape_cast %broadcast_in_dim3A_2 : vector<16xf32> to vector<1x16xf32>
      tpu.vector_store %arg12[%swap3A_63, %swap3A_64], %swap3A_67 {strides = array<i32>} : memref<40x128xf32, #tpu.memory_space<vmem>>, vector<1x16xf32>,
      %swap3A_68 = arith.index_cast %scan3A_37 : i32 to index
      %swap3A_69 = arith.constant 96 : index
      %swap3A_70 = tpu.vector_load %arg12[%swap3A_68, %swap3A_69] {strides = array<i32>} : memref<40x128xf32, #tpu.memory_space<vmem>>, vector<1x16xf32>,
      %swap3A_71 = vector.shape_cast %swap3A_70 : vector<1x16xf32> to vector<16xf32>
      %swap3A_72 = vector.shape_cast %broadcast_in_dim3A_2 : vector<16xf32> to vector<1x16xf32>
      tpu.vector_store %arg12[%swap3A_68, %swap3A_69], %swap3A_72 {strides = array<i32>} : memref<40x128xf32, #tpu.memory_space<vmem>>, vector<1x16xf32>,
      %swap3A_73 = arith.index_cast %scan3A_37 : i32 to index
      %swap3A_74 = arith.constant 112 : index
      %swap3A_75 = tpu.vector_load %arg12[%swap3A_73, %swap3A_74] {strides = array<i32>} : memref<40x128xf32, #tpu.memory_space<vmem>>, vector<1x16xf32>,
      %swap3A_76 = vector.shape_cast %swap3A_75 : vector<1x16xf32> to vector<16xf32>
      %swap3A_77 = vector.shape_cast %broadcast_in_dim3A_2 : vector<16xf32> to vector<1x16xf32>
      tpu.vector_store %arg12[%swap3A_73, %swap3A_74], %swap3A_77 {strides = array<i32>} : memref<40x128xf32, #tpu.memory_space<vmem>>, vector<1x16xf32>,
      %swap3A_78 = arith.index_cast %scan3A_37 : i32 to index
      %swap3A_79 = arith.constant 0 : index
      %swap3A_80 = tpu.vector_load %arg16[%swap3A_78, %swap3A_79] {strides = array<i32>} : memref<40x16xf32, #tpu.memory_space<vmem>>, vector<1x16xf32>,
      %swap3A_81 = vector.shape_cast %swap3A_80 : vector<1x16xf32> to vector<16xf32>
      %swap3A_82 = vector.shape_cast %broadcast_in_dim3A_2 : vector<16xf32> to vector<1x16xf32>
      tpu.vector_store %arg16[%swap3A_78, %swap3A_79], %swap3A_82 {strides = array<i32>} : memref<40x16xf32, #tpu.memory_space<vmem>>, vector<1x16xf32>,
      %scan3A_83 = arith.constant 0 : i32
      scf.yield %scan3A_83 : i32
    }
    %scan3A_10 = arith.constant 40 : i32
    %scan3A_11 = arith.constant 0 : i32
    %scan3A_12 = arith.constant 0 : i32
    %scan3A_13 = arith.constant 16 : i32
    %scan3A_14 = arith.addi %scan3A_12, %scan3A_13 : i32
    %scan3A_15 = arith.constant 1 : i32
    %scan3A_16 = scf.for %scan3A_37 = %scan3A_12 to %scan3A_14 step %scan3A_15 iter_args(%scan3A_38 = %scan3A_11) -> (i32)  : i32 {
      %mul3A_39 = arith.constant 40 : i32
      %mul3A_40 = arith.muli %scan3A_37, %mul3A_39 : i32
      %add3A_41 = arith.addi %mul3A_4, %mul3A_40 : i32
      %dma_start3A = arith.constant 0 : i32
      %dma_start3A_42 = tpu.memref_slice %arg17[%add3A_41, %dma_start3A] : memref<10240x128xf32, #tpu.memory_space<vmem_shared>> -> memref<40x128xf32, #tpu.memory_space<vmem_shared>>
      %dma_start3A_43 = arith.constant 0 : i32
      %dma_start3A_44 = tpu.memref_slice %arg17[%add3A_41, %dma_start3A_43] : memref<10240x128xf32, #tpu.memory_space<vmem_shared>> -> memref<40x128xf32, #tpu.memory_space<vmem_shared>>
      tpu.enqueue_dma source(%arg12 : memref<40x128xf32, #tpu.memory_space<vmem>>) target(%dma_start3A_44 : memref<40x128xf32, #tpu.memory_space<vmem_shared>>) target_semaphore(%arg19 : memref<!tpu.dma_semaphore, #tpu.memory_space<semaphore_mem>>)
      %dma_wait3A = arith.constant 0 : i32
      %dma_wait3A_45 = tpu.memref_slice %arg17[%add3A_41, %dma_wait3A] : memref<10240x128xf32, #tpu.memory_space<vmem_shared>> -> memref<40x128xf32, #tpu.memory_space<vmem_shared>>
      %dma_wait3A_46 = arith.constant 0 : i32
      %dma_wait3A_47 = tpu.memref_slice %arg17[%add3A_41, %dma_wait3A_46] : memref<10240x128xf32, #tpu.memory_space<vmem_shared>> -> memref<40x128xf32, #tpu.memory_space<vmem_shared>>
      tpu.wait_dma2 semaphore(%arg19 : memref<!tpu.dma_semaphore, #tpu.memory_space<semaphore_mem>>) src(%arg12 : memref<40x128xf32, #tpu.memory_space<vmem>>) dst(%dma_wait3A_47 : memref<40x128xf32, #tpu.memory_space<vmem_shared>>)
      %mul3A_48 = arith.constant 40 : i32
      %mul3A_49 = arith.muli %scan3A_37, %mul3A_48 : i32
      %add3A_50 = arith.addi %mul3A_4, %mul3A_49 : i32
      %dma_start3A_51 = arith.constant 0 : i32
      %dma_start3A_52 = tpu.memref_slice %arg18[%add3A_50, %dma_start3A_51] : memref<10240x16xf32, #tpu.memory_space<vmem_shared>> -> memref<40x16xf32, #tpu.memory_space<vmem_shared>>
      %dma_start3A_53 = arith.constant 0 : i32
      %dma_start3A_54 = tpu.memref_slice %arg18[%add3A_50, %dma_start3A_53] : memref<10240x16xf32, #tpu.memory_space<vmem_shared>> -> memref<40x16xf32, #tpu.memory_space<vmem_shared>>
      tpu.enqueue_dma source(%arg16 : memref<40x16xf32, #tpu.memory_space<vmem>>) target(%dma_start3A_54 : memref<40x16xf32, #tpu.memory_space<vmem_shared>>) target_semaphore(%arg19 : memref<!tpu.dma_semaphore, #tpu.memory_space<semaphore_mem>>)
      %dma_wait3A_55 = arith.constant 0 : i32
      %dma_wait3A_56 = tpu.memref_slice %arg18[%add3A_50, %dma_wait3A_55] : memref<10240x16xf32, #tpu.memory_space<vmem_shared>> -> memref<40x16xf32, #tpu.memory_space<vmem_shared>>
      %dma_wait3A_57 = arith.constant 0 : i32
      %dma_wait3A_58 = tpu.memref_slice %arg18[%add3A_50, %dma_wait3A_57] : memref<10240x16xf32, #tpu.memory_space<vmem_shared>> -> memref<40x16xf32, #tpu.memory_space<vmem_shared>>
      tpu.wait_dma2 semaphore(%arg19 : memref<!tpu.dma_semaphore, #tpu.memory_space<semaphore_mem>>) src(%arg16 : memref<40x16xf32, #tpu.memory_space<vmem>>) dst(%dma_wait3A_58 : memref<40x16xf32, #tpu.memory_space<vmem_shared>>)
      %scan3A_59 = arith.constant 0 : i32
      scf.yield %scan3A_59 : i32
    }
    %scan3A_17 = arith.constant 16 : i32
    %barrier3A = arith.constant 0 : index
    tpu.barrier barrier_id(%barrier3A)
    %mul3A_18 = arith.constant 16 : i32
    %mul3A_19 = arith.muli %arg0, %mul3A_18 : i32
    %add3A = arith.addi %mul3A_19, %arg1 : i32
    %mul3A_20 = arith.constant 10000 : i32
    %mul3A_21 = arith.muli %add3A, %mul3A_20 : i32
    %scan3A_22 = arith.constant 0 : i32
    %scan3A_23 = arith.constant 0 : i32
    %scan3A_24 = arith.constant 250 : i32
    %scan3A_25 = arith.addi %scan3A_23, %scan3A_24 : i32
    %scan3A_26 = arith.constant 1 : i32
    %scan3A_27 = scf.for %scan3A_37 = %scan3A_23 to %scan3A_25 step %scan3A_26 iter_args(%scan3A_38 = %scan3A_22) -> (i32)  : i32 {
      %mul3A_39 = arith.constant 40 : i32
      %mul3A_40 = arith.muli %scan3A_37, %mul3A_39 : i32
      %add3A_41 = arith.addi %mul3A_21, %mul3A_40 : i32
      %dma_start3A = tpu.memref_slice %arg6[%add3A_41] : memref<320000xi32, #tpu.memory_space<hbm>> -> memref<40xi32, #tpu.memory_space<hbm>>
      %dma_start3A_42 = tpu.memref_slice %arg6[%add3A_41] : memref<320000xi32, #tpu.memory_space<hbm>> -> memref<40xi32, #tpu.memory_space<hbm>>
      tpu.enqueue_dma source(%dma_start3A_42 : memref<40xi32, #tpu.memory_space<hbm>>) target(%arg10 : memref<40xi32, #tpu.memory_space<vmem>>) target_semaphore(%arg19 : memref<!tpu.dma_semaphore, #tpu.memory_space<semaphore_mem>>)
      %dma_start3A_43 = tpu.memref_slice %arg7[%add3A_41] : memref<320000xi32, #tpu.memory_space<hbm>> -> memref<40xi32, #tpu.memory_space<hbm>>
      %dma_start3A_44 = tpu.memref_slice %arg7[%add3A_41] : memref<320000xi32, #tpu.memory_space<hbm>> -> memref<40xi32, #tpu.memory_space<hbm>>
      tpu.enqueue_dma source(%dma_start3A_44 : memref<40xi32, #tpu.memory_space<hbm>>) target(%arg11 : memref<40xi32, #tpu.memory_space<vmem>>) target_semaphore(%arg19 : memref<!tpu.dma_semaphore, #tpu.memory_space<semaphore_mem>>)
      %dma_wait3A = tpu.memref_slice %arg6[%add3A_41] : memref<320000xi32, #tpu.memory_space<hbm>> -> memref<40xi32, #tpu.memory_space<hbm>>
      %dma_wait3A_45 = tpu.memref_slice %arg6[%add3A_41] : memref<320000xi32, #tpu.memory_space<hbm>> -> memref<40xi32, #tpu.memory_space<hbm>>
      tpu.wait_dma2 semaphore(%arg19 : memref<!tpu.dma_semaphore, #tpu.memory_space<semaphore_mem>>) src(%dma_wait3A_45 : memref<40xi32, #tpu.memory_space<hbm>>) dst(%arg10 : memref<40xi32, #tpu.memory_space<vmem>>)
      %dma_wait3A_46 = tpu.memref_slice %arg7[%add3A_41] : memref<320000xi32, #tpu.memory_space<hbm>> -> memref<40xi32, #tpu.memory_space<hbm>>
      %dma_wait3A_47 = tpu.memref_slice %arg7[%add3A_41] : memref<320000xi32, #tpu.memory_space<hbm>> -> memref<40xi32, #tpu.memory_space<hbm>>
      tpu.wait_dma2 semaphore(%arg19 : memref<!tpu.dma_semaphore, #tpu.memory_space<semaphore_mem>>) src(%dma_wait3A_47 : memref<40xi32, #tpu.memory_space<hbm>>) dst(%arg11 : memref<40xi32, #tpu.memory_space<vmem>>)
      %dma_start3A_48 = arith.constant 0 : i32
      %dma_start3A_49 = arith.constant 0 : i32
      %dma_start3A_50 = tpu.memref_slice %arg2[%dma_start3A_48, %dma_start3A_49] : memref<10000x128xf32, #tpu.memory_space<hbm>> -> memref<10000x128xf32, #tpu.memory_space<hbm>>
      tpu.enqueue_indirect_dma source(%dma_start3A_50 : memref<10000x128xf32, #tpu.memory_space<hbm>>) target(%arg12 : memref<40x128xf32, #tpu.memory_space<vmem>>) offsets(%arg11 : memref<40xi32, #tpu.memory_space<vmem>>) semaphore(%arg19 : memref<!tpu.dma_semaphore, #tpu.memory_space<semaphore_mem>>)
      %dma_start3A_51 = arith.constant 0 : i32
      %dma_start3A_52 = arith.constant 0 : i32
      %dma_start3A_53 = tpu.memref_slice %arg3[%dma_start3A_51, %dma_start3A_52] : memref<10000x128xf32, #tpu.memory_space<hbm>> -> memref<10000x128xf32, #tpu.memory_space<hbm>>
      tpu.enqueue_indirect_dma source(%dma_start3A_53 : memref<10000x128xf32, #tpu.memory_space<hbm>>) target(%arg13 : memref<40x128xf32, #tpu.memory_space<vmem>>) offsets(%arg10 : memref<40xi32, #tpu.memory_space<vmem>>) semaphore(%arg19 : memref<!tpu.dma_semaphore, #tpu.memory_space<semaphore_mem>>)
      %dma_start3A_54 = arith.constant 0 : i32
      %dma_start3A_55 = arith.constant 0 : i32
      %dma_start3A_56 = tpu.memref_slice %arg4[%dma_start3A_54, %dma_start3A_55] : memref<10000x128xf32, #tpu.memory_space<hbm>> -> memref<10000x128xf32, #tpu.memory_space<hbm>>
      tpu.enqueue_indirect_dma source(%dma_start3A_56 : memref<10000x128xf32, #tpu.memory_space<hbm>>) target(%arg14 : memref<40x128xf32, #tpu.memory_space<vmem>>) offsets(%arg10 : memref<40xi32, #tpu.memory_space<vmem>>) semaphore(%arg19 : memref<!tpu.dma_semaphore, #tpu.memory_space<semaphore_mem>>)
      %dma_start3A_57 = arith.constant 0 : i32
      %dma_start3A_58 = tpu.memref_slice %arg5[%add3A_41, %dma_start3A_57] : memref<320000x128xf32, #tpu.memory_space<hbm>> -> memref<40x128xf32, #tpu.memory_space<hbm>>
      %dma_start3A_59 = arith.constant 0 : i32
      %dma_start3A_60 = tpu.memref_slice %arg5[%add3A_41, %dma_start3A_59] : memref<320000x128xf32, #tpu.memory_space<hbm>> -> memref<40x128xf32, #tpu.memory_space<hbm>>
      tpu.enqueue_dma source(%dma_start3A_60 : memref<40x128xf32, #tpu.memory_space<hbm>>) target(%arg15 : memref<40x128xf32, #tpu.memory_space<vmem>>) target_semaphore(%arg19 : memref<!tpu.dma_semaphore, #tpu.memory_space<semaphore_mem>>)
      %dma_wait3A_61 = arith.constant 0 : i32
      %dma_wait3A_62 = arith.constant 0 : i32
      %dma_wait3A_63 = tpu.memref_slice %arg2[%dma_wait3A_61, %dma_wait3A_62] : memref<10000x128xf32, #tpu.memory_space<hbm>> -> memref<10000x128xf32, #tpu.memory_space<hbm>>
      tpu.wait_indirect_dma semaphore(%arg19 : memref<!tpu.dma_semaphore, #tpu.memory_space<semaphore_mem>>) src(%dma_wait3A_63 : memref<10000x128xf32, #tpu.memory_space<hbm>>) dst(%arg12 : memref<40x128xf32, #tpu.memory_space<vmem>>)
      %dma_wait3A_64 = arith.constant 0 : i32
      %dma_wait3A_65 = arith.constant 0 : i32
      %dma_wait3A_66 = tpu.memref_slice %arg3[%dma_wait3A_64, %dma_wait3A_65] : memref<10000x128xf32, #tpu.memory_space<hbm>> -> memref<10000x128xf32, #tpu.memory_space<hbm>>
      tpu.wait_indirect_dma semaphore(%arg19 : memref<!tpu.dma_semaphore, #tpu.memory_space<semaphore_mem>>) src(%dma_wait3A_66 : memref<10000x128xf32, #tpu.memory_space<hbm>>) dst(%arg13 : memref<40x128xf32, #tpu.memory_space<vmem>>)
      %dma_wait3A_67 = arith.constant 0 : i32
      %dma_wait3A_68 = arith.constant 0 : i32
      %dma_wait3A_69 = tpu.memref_slice %arg4[%dma_wait3A_67, %dma_wait3A_68] : memref<10000x128xf32, #tpu.memory_space<hbm>> -> memref<10000x128xf32, #tpu.memory_space<hbm>>
      tpu.wait_indirect_dma semaphore(%arg19 : memref<!tpu.dma_semaphore, #tpu.memory_space<semaphore_mem>>) src(%dma_wait3A_69 : memref<10000x128xf32, #tpu.memory_space<hbm>>) dst(%arg14 : memref<40x128xf32, #tpu.memory_space<vmem>>)
      %dma_wait3A_70 = arith.constant 0 : i32
      %dma_wait3A_71 = tpu.memref_slice %arg5[%add3A_41, %dma_wait3A_70] : memref<320000x128xf32, #tpu.memory_space<hbm>> -> memref<40x128xf32, #tpu.memory_space<hbm>>
      %dma_wait3A_72 = arith.constant 0 : i32
      %dma_wait3A_73 = tpu.memref_slice %arg5[%add3A_41, %dma_wait3A_72] : memref<320000x128xf32, #tpu.memory_space<hbm>> -> memref<40x128xf32, #tpu.memory_space<hbm>>
      tpu.wait_dma2 semaphore(%arg19 : memref<!tpu.dma_semaphore, #tpu.memory_space<semaphore_mem>>) src(%dma_wait3A_73 : memref<40x128xf32, #tpu.memory_space<hbm>>) dst(%arg15 : memref<40x128xf32, #tpu.memory_space<vmem>>)
      %scan3A_74 = arith.constant 0 : i32
      %scan3A_75 = arith.constant 0 : i32
      %scan3A_76 = arith.constant 40 : i32
      %scan3A_77 = arith.addi %scan3A_75, %scan3A_76 : i32
      %scan3A_78 = arith.constant 1 : i32
      %scan3A_79 = scf.for %scan3A_94 = %scan3A_75 to %scan3A_77 step %scan3A_78 iter_args(%scan3A_95 = %scan3A_74) -> (i32)  : i32 {
        %broadcast_in_dim3A_96 = arith.constant 0.000000e+00 : f32
        %broadcast_in_dim3A_97 = vector.broadcast %broadcast_in_dim3A_96 : f32 to vector<16xf32>
        %get3A = arith.index_cast %scan3A_94 : i32 to index
        %get3A_98 = arith.constant 0 : index
        %get3A_99 = tpu.vector_load %arg12[%get3A, %get3A_98] {strides = array<i32>} : memref<40x128xf32, #tpu.memory_space<vmem>>, vector<1x16xf32>,
        %get3A_100 = vector.shape_cast %get3A_99 : vector<1x16xf32> to vector<16xf32>
        %get3A_101 = arith.index_cast %scan3A_94 : i32 to index
        %get3A_102 = arith.constant 0 : index
        %get3A_103 = tpu.vector_load %arg13[%get3A_101, %get3A_102] {strides = array<i32>} : memref<40x128xf32, #tpu.memory_space<vmem>>, vector<1x16xf32>,
        %get3A_104 = vector.shape_cast %get3A_103 : vector<1x16xf32> to vector<16xf32>
        %mul3A_105 = arith.mulf %get3A_100, %get3A_104 : vector<16xf32>
        %get3A_106 = arith.index_cast %scan3A_94 : i32 to index
        %get3A_107 = arith.constant 0 : index
        %get3A_108 = tpu.vector_load %arg15[%get3A_106, %get3A_107] {strides = array<i32>} : memref<40x128xf32, #tpu.memory_space<vmem>>, vector<1x16xf32>,
        %get3A_109 = vector.shape_cast %get3A_108 : vector<1x16xf32> to vector<16xf32>
        %mul3A_110 = arith.mulf %mul3A_105, %get3A_109 : vector<16xf32>
        %xor3A = arith.constant 8 : i32
        %xor3A_111 = vector.broadcast %xor3A : i32 to vector<16xi32>
        %xor3A_112 = arith.xori %iota3A, %xor3A_111 : vector<16xi32>
        %lt3A = arith.constant 0 : i32
        %lt3A_113 = vector.broadcast %lt3A : i32 to vector<16xi32>
        %lt3A_114 = arith.cmpi slt, %xor3A_112, %lt3A_113 : vector<16xi32>
        %add3A_115 = arith.constant 16 : i32
        %add3A_116 = vector.broadcast %add3A_115 : i32 to vector<16xi32>
        %add3A_117 = arith.addi %xor3A_112, %add3A_116 : vector<16xi32>
        %select_n3A = arith.select %lt3A_114, %add3A_117, %xor3A_112 : vector<16xi1>, vector<16xi32>
        %broadcast_in_dim3A_118 = vector.shape_cast %select_n3A : vector<16xi32> to vector<16x1xi32>
        %gather3A = vector.shape_cast %broadcast_in_dim3A_118 : vector<16x1xi32> to vector<16xi32>
        %gather3A_119 = tpu.dynamic_gather %mul3A_110[%gather3A] in [0] : vector<16xf32>, vector<16xi32> -> vector<16xf32>
        %add3A_120 = arith.addf %mul3A_110, %gather3A_119 : vector<16xf32>
        %xor3A_121 = arith.constant 4 : i32
        %xor3A_122 = vector.broadcast %xor3A_121 : i32 to vector<16xi32>
        %xor3A_123 = arith.xori %iota3A, %xor3A_122 : vector<16xi32>
        %lt3A_124 = arith.constant 0 : i32
        %lt3A_125 = vector.broadcast %lt3A_124 : i32 to vector<16xi32>
        %lt3A_126 = arith.cmpi slt, %xor3A_123, %lt3A_125 : vector<16xi32>
        %add3A_127 = arith.constant 16 : i32
        %add3A_128 = vector.broadcast %add3A_127 : i32 to vector<16xi32>
        %add3A_129 = arith.addi %xor3A_123, %add3A_128 : vector<16xi32>
        %select_n3A_130 = arith.select %lt3A_126, %add3A_129, %xor3A_123 : vector<16xi1>, vector<16xi32>
        %broadcast_in_dim3A_131 = vector.shape_cast %select_n3A_130 : vector<16xi32> to vector<16x1xi32>
        %gather3A_132 = vector.shape_cast %broadcast_in_dim3A_131 : vector<16x1xi32> to vector<16xi32>
        %gather3A_133 = tpu.dynamic_gather %add3A_120[%gather3A_132] in [0] : vector<16xf32>, vector<16xi32> -> vector<16xf32>
        %add3A_134 = arith.addf %add3A_120, %gather3A_133 : vector<16xf32>
        %xor3A_135 = arith.constant 2 : i32
        %xor3A_136 = vector.broadcast %xor3A_135 : i32 to vector<16xi32>
        %xor3A_137 = arith.xori %iota3A, %xor3A_136 : vector<16xi32>
        %lt3A_138 = arith.constant 0 : i32
        %lt3A_139 = vector.broadcast %lt3A_138 : i32 to vector<16xi32>
        %lt3A_140 = arith.cmpi slt, %xor3A_137, %lt3A_139 : vector<16xi32>
        %add3A_141 = arith.constant 16 : i32
        %add3A_142 = vector.broadcast %add3A_141 : i32 to vector<16xi32>
        %add3A_143 = arith.addi %xor3A_137, %add3A_142 : vector<16xi32>
        %select_n3A_144 = arith.select %lt3A_140, %add3A_143, %xor3A_137 : vector<16xi1>, vector<16xi32>
        %broadcast_in_dim3A_145 = vector.shape_cast %select_n3A_144 : vector<16xi32> to vector<16x1xi32>
        %gather3A_146 = vector.shape_cast %broadcast_in_dim3A_145 : vector<16x1xi32> to vector<16xi32>
        %gather3A_147 = tpu.dynamic_gather %add3A_134[%gather3A_146] in [0] : vector<16xf32>, vector<16xi32> -> vector<16xf32>
        %add3A_148 = arith.addf %add3A_134, %gather3A_147 : vector<16xf32>
        %xor3A_149 = arith.constant 1 : i32
        %xor3A_150 = vector.broadcast %xor3A_149 : i32 to vector<16xi32>
        %xor3A_151 = arith.xori %iota3A, %xor3A_150 : vector<16xi32>
        %lt3A_152 = arith.constant 0 : i32
        %lt3A_153 = vector.broadcast %lt3A_152 : i32 to vector<16xi32>
        %lt3A_154 = arith.cmpi slt, %xor3A_151, %lt3A_153 : vector<16xi32>
        %add3A_155 = arith.constant 16 : i32
        %add3A_156 = vector.broadcast %add3A_155 : i32 to vector<16xi32>
        %add3A_157 = arith.addi %xor3A_151, %add3A_156 : vector<16xi32>
        %select_n3A_158 = arith.select %lt3A_154, %add3A_157, %xor3A_151 : vector<16xi1>, vector<16xi32>
        %broadcast_in_dim3A_159 = vector.shape_cast %select_n3A_158 : vector<16xi32> to vector<16x1xi32>
        %gather3A_160 = vector.shape_cast %broadcast_in_dim3A_159 : vector<16x1xi32> to vector<16xi32>
        %gather3A_161 = tpu.dynamic_gather %add3A_148[%gather3A_160] in [0] : vector<16xf32>, vector<16xi32> -> vector<16xf32>
        %add3A_162 = arith.addf %add3A_148, %gather3A_161 : vector<16xf32>
        %eq3A = arith.constant 0 : i32
        %eq3A_163 = vector.broadcast %eq3A : i32 to vector<16xi32>
        %eq3A_164 = arith.cmpi eq, %iota3A, %eq3A_163 : vector<16xi32>
        %select_n3A_165 = arith.select %eq3A_164, %add3A_162, %broadcast_in_dim3A_97 : vector<16xi1>, vector<16xf32>
        %get3A_166 = arith.index_cast %scan3A_94 : i32 to index
        %get3A_167 = arith.constant 16 : index
        %get3A_168 = tpu.vector_load %arg12[%get3A_166, %get3A_167] {strides = array<i32>} : memref<40x128xf32, #tpu.memory_space<vmem>>, vector<1x16xf32>,
        %get3A_169 = vector.shape_cast %get3A_168 : vector<1x16xf32> to vector<16xf32>
        %get3A_170 = arith.index_cast %scan3A_94 : i32 to index
        %get3A_171 = arith.constant 16 : index
        %get3A_172 = tpu.vector_load %arg13[%get3A_170, %get3A_171] {strides = array<i32>} : memref<40x128xf32, #tpu.memory_space<vmem>>, vector<1x16xf32>,
        %get3A_173 = vector.shape_cast %get3A_172 : vector<1x16xf32> to vector<16xf32>
        %mul3A_174 = arith.mulf %get3A_169, %get3A_173 : vector<16xf32>
        %get3A_175 = arith.index_cast %scan3A_94 : i32 to index
        %get3A_176 = arith.constant 16 : index
        %get3A_177 = tpu.vector_load %arg15[%get3A_175, %get3A_176] {strides = array<i32>} : memref<40x128xf32, #tpu.memory_space<vmem>>, vector<1x16xf32>,
        %get3A_178 = vector.shape_cast %get3A_177 : vector<1x16xf32> to vector<16xf32>
        %mul3A_179 = arith.mulf %mul3A_174, %get3A_178 : vector<16xf32>
        %xor3A_180 = arith.constant 8 : i32
        %xor3A_181 = vector.broadcast %xor3A_180 : i32 to vector<16xi32>
        %xor3A_182 = arith.xori %iota3A, %xor3A_181 : vector<16xi32>
        %lt3A_183 = arith.constant 0 : i32
        %lt3A_184 = vector.broadcast %lt3A_183 : i32 to vector<16xi32>
        %lt3A_185 = arith.cmpi slt, %xor3A_182, %lt3A_184 : vector<16xi32>
        %add3A_186 = arith.constant 16 : i32
        %add3A_187 = vector.broadcast %add3A_186 : i32 to vector<16xi32>
        %add3A_188 = arith.addi %xor3A_182, %add3A_187 : vector<16xi32>
        %select_n3A_189 = arith.select %lt3A_185, %add3A_188, %xor3A_182 : vector<16xi1>, vector<16xi32>
        %broadcast_in_dim3A_190 = vector.shape_cast %select_n3A_189 : vector<16xi32> to vector<16x1xi32>
        %gather3A_191 = vector.shape_cast %broadcast_in_dim3A_190 : vector<16x1xi32> to vector<16xi32>
        %gather3A_192 = tpu.dynamic_gather %mul3A_179[%gather3A_191] in [0] : vector<16xf32>, vector<16xi32> -> vector<16xf32>
        %add3A_193 = arith.addf %mul3A_179, %gather3A_192 : vector<16xf32>
        %xor3A_194 = arith.constant 4 : i32
        %xor3A_195 = vector.broadcast %xor3A_194 : i32 to vector<16xi32>
        %xor3A_196 = arith.xori %iota3A, %xor3A_195 : vector<16xi32>
        %lt3A_197 = arith.constant 0 : i32
        %lt3A_198 = vector.broadcast %lt3A_197 : i32 to vector<16xi32>
        %lt3A_199 = arith.cmpi slt, %xor3A_196, %lt3A_198 : vector<16xi32>
        %add3A_200 = arith.constant 16 : i32
        %add3A_201 = vector.broadcast %add3A_200 : i32 to vector<16xi32>
        %add3A_202 = arith.addi %xor3A_196, %add3A_201 : vector<16xi32>
        %select_n3A_203 = arith.select %lt3A_199, %add3A_202, %xor3A_196 : vector<16xi1>, vector<16xi32>
        %broadcast_in_dim3A_204 = vector.shape_cast %select_n3A_203 : vector<16xi32> to vector<16x1xi32>
        %gather3A_205 = vector.shape_cast %broadcast_in_dim3A_204 : vector<16x1xi32> to vector<16xi32>
        %gather3A_206 = tpu.dynamic_gather %add3A_193[%gather3A_205] in [0] : vector<16xf32>, vector<16xi32> -> vector<16xf32>
        %add3A_207 = arith.addf %add3A_193, %gather3A_206 : vector<16xf32>
        %xor3A_208 = arith.constant 2 : i32
        %xor3A_209 = vector.broadcast %xor3A_208 : i32 to vector<16xi32>
        %xor3A_210 = arith.xori %iota3A, %xor3A_209 : vector<16xi32>
        %lt3A_211 = arith.constant 0 : i32
        %lt3A_212 = vector.broadcast %lt3A_211 : i32 to vector<16xi32>
        %lt3A_213 = arith.cmpi slt, %xor3A_210, %lt3A_212 : vector<16xi32>
        %add3A_214 = arith.constant 16 : i32
        %add3A_215 = vector.broadcast %add3A_214 : i32 to vector<16xi32>
        %add3A_216 = arith.addi %xor3A_210, %add3A_215 : vector<16xi32>
        %select_n3A_217 = arith.select %lt3A_213, %add3A_216, %xor3A_210 : vector<16xi1>, vector<16xi32>
        %broadcast_in_dim3A_218 = vector.shape_cast %select_n3A_217 : vector<16xi32> to vector<16x1xi32>
        %gather3A_219 = vector.shape_cast %broadcast_in_dim3A_218 : vector<16x1xi32> to vector<16xi32>
        %gather3A_220 = tpu.dynamic_gather %add3A_207[%gather3A_219] in [0] : vector<16xf32>, vector<16xi32> -> vector<16xf32>
        %add3A_221 = arith.addf %add3A_207, %gather3A_220 : vector<16xf32>
        %xor3A_222 = arith.constant 1 : i32
        %xor3A_223 = vector.broadcast %xor3A_222 : i32 to vector<16xi32>
        %xor3A_224 = arith.xori %iota3A, %xor3A_223 : vector<16xi32>
        %lt3A_225 = arith.constant 0 : i32
        %lt3A_226 = vector.broadcast %lt3A_225 : i32 to vector<16xi32>
        %lt3A_227 = arith.cmpi slt, %xor3A_224, %lt3A_226 : vector<16xi32>
        %add3A_228 = arith.constant 16 : i32
        %add3A_229 = vector.broadcast %add3A_228 : i32 to vector<16xi32>
        %add3A_230 = arith.addi %xor3A_224, %add3A_229 : vector<16xi32>
        %select_n3A_231 = arith.select %lt3A_227, %add3A_230, %xor3A_224 : vector<16xi1>, vector<16xi32>
        %broadcast_in_dim3A_232 = vector.shape_cast %select_n3A_231 : vector<16xi32> to vector<16x1xi32>
        %gather3A_233 = vector.shape_cast %broadcast_in_dim3A_232 : vector<16x1xi32> to vector<16xi32>
        %gather3A_234 = tpu.dynamic_gather %add3A_221[%gather3A_233] in [0] : vector<16xf32>, vector<16xi32> -> vector<16xf32>
        %add3A_235 = arith.addf %add3A_221, %gather3A_234 : vector<16xf32>
        %eq3A_236 = arith.constant 1 : i32
        %eq3A_237 = vector.broadcast %eq3A_236 : i32 to vector<16xi32>
        %eq3A_238 = arith.cmpi eq, %iota3A, %eq3A_237 : vector<16xi32>
        %select_n3A_239 = arith.select %eq3A_238, %add3A_235, %select_n3A_165 : vector<16xi1>, vector<16xf32>
        %get3A_240 = arith.index_cast %scan3A_94 : i32 to index
        %get3A_241 = arith.constant 32 : index
        %get3A_242 = tpu.vector_load %arg12[%get3A_240, %get3A_241] {strides = array<i32>} : memref<40x128xf32, #tpu.memory_space<vmem>>, vector<1x16xf32>,
        %get3A_243 = vector.shape_cast %get3A_242 : vector<1x16xf32> to vector<16xf32>
        %get3A_244 = arith.index_cast %scan3A_94 : i32 to index
        %get3A_245 = arith.constant 32 : index
        %get3A_246 = tpu.vector_load %arg13[%get3A_244, %get3A_245] {strides = array<i32>} : memref<40x128xf32, #tpu.memory_space<vmem>>, vector<1x16xf32>,
        %get3A_247 = vector.shape_cast %get3A_246 : vector<1x16xf32> to vector<16xf32>
        %mul3A_248 = arith.mulf %get3A_243, %get3A_247 : vector<16xf32>
        %get3A_249 = arith.index_cast %scan3A_94 : i32 to index
        %get3A_250 = arith.constant 32 : index
        %get3A_251 = tpu.vector_load %arg15[%get3A_249, %get3A_250] {strides = array<i32>} : memref<40x128xf32, #tpu.memory_space<vmem>>, vector<1x16xf32>,
        %get3A_252 = vector.shape_cast %get3A_251 : vector<1x16xf32> to vector<16xf32>
        %mul3A_253 = arith.mulf %mul3A_248, %get3A_252 : vector<16xf32>
        %xor3A_254 = arith.constant 8 : i32
        %xor3A_255 = vector.broadcast %xor3A_254 : i32 to vector<16xi32>
        %xor3A_256 = arith.xori %iota3A, %xor3A_255 : vector<16xi32>
        %lt3A_257 = arith.constant 0 : i32
        %lt3A_258 = vector.broadcast %lt3A_257 : i32 to vector<16xi32>
        %lt3A_259 = arith.cmpi slt, %xor3A_256, %lt3A_258 : vector<16xi32>
        %add3A_260 = arith.constant 16 : i32
        %add3A_261 = vector.broadcast %add3A_260 : i32 to vector<16xi32>
        %add3A_262 = arith.addi %xor3A_256, %add3A_261 : vector<16xi32>
        %select_n3A_263 = arith.select %lt3A_259, %add3A_262, %xor3A_256 : vector<16xi1>, vector<16xi32>
        %broadcast_in_dim3A_264 = vector.shape_cast %select_n3A_263 : vector<16xi32> to vector<16x1xi32>
        %gather3A_265 = vector.shape_cast %broadcast_in_dim3A_264 : vector<16x1xi32> to vector<16xi32>
        %gather3A_266 = tpu.dynamic_gather %mul3A_253[%gather3A_265] in [0] : vector<16xf32>, vector<16xi32> -> vector<16xf32>
        %add3A_267 = arith.addf %mul3A_253, %gather3A_266 : vector<16xf32>
        %xor3A_268 = arith.constant 4 : i32
        %xor3A_269 = vector.broadcast %xor3A_268 : i32 to vector<16xi32>
        %xor3A_270 = arith.xori %iota3A, %xor3A_269 : vector<16xi32>
        %lt3A_271 = arith.constant 0 : i32
        %lt3A_272 = vector.broadcast %lt3A_271 : i32 to vector<16xi32>
        %lt3A_273 = arith.cmpi slt, %xor3A_270, %lt3A_272 : vector<16xi32>
        %add3A_274 = arith.constant 16 : i32
        %add3A_275 = vector.broadcast %add3A_274 : i32 to vector<16xi32>
        %add3A_276 = arith.addi %xor3A_270, %add3A_275 : vector<16xi32>
        %select_n3A_277 = arith.select %lt3A_273, %add3A_276, %xor3A_270 : vector<16xi1>, vector<16xi32>
        %broadcast_in_dim3A_278 = vector.shape_cast %select_n3A_277 : vector<16xi32> to vector<16x1xi32>
        %gather3A_279 = vector.shape_cast %broadcast_in_dim3A_278 : vector<16x1xi32> to vector<16xi32>
        %gather3A_280 = tpu.dynamic_gather %add3A_267[%gather3A_279] in [0] : vector<16xf32>, vector<16xi32> -> vector<16xf32>
        %add3A_281 = arith.addf %add3A_267, %gather3A_280 : vector<16xf32>
        %xor3A_282 = arith.constant 2 : i32
        %xor3A_283 = vector.broadcast %xor3A_282 : i32 to vector<16xi32>
        %xor3A_284 = arith.xori %iota3A, %xor3A_283 : vector<16xi32>
        %lt3A_285 = arith.constant 0 : i32
        %lt3A_286 = vector.broadcast %lt3A_285 : i32 to vector<16xi32>
        %lt3A_287 = arith.cmpi slt, %xor3A_284, %lt3A_286 : vector<16xi32>
        %add3A_288 = arith.constant 16 : i32
        %add3A_289 = vector.broadcast %add3A_288 : i32 to vector<16xi32>
        %add3A_290 = arith.addi %xor3A_284, %add3A_289 : vector<16xi32>
        %select_n3A_291 = arith.select %lt3A_287, %add3A_290, %xor3A_284 : vector<16xi1>, vector<16xi32>
        %broadcast_in_dim3A_292 = vector.shape_cast %select_n3A_291 : vector<16xi32> to vector<16x1xi32>
        %gather3A_293 = vector.shape_cast %broadcast_in_dim3A_292 : vector<16x1xi32> to vector<16xi32>
        %gather3A_294 = tpu.dynamic_gather %add3A_281[%gather3A_293] in [0] : vector<16xf32>, vector<16xi32> -> vector<16xf32>
        %add3A_295 = arith.addf %add3A_281, %gather3A_294 : vector<16xf32>
        %xor3A_296 = arith.constant 1 : i32
        %xor3A_297 = vector.broadcast %xor3A_296 : i32 to vector<16xi32>
        %xor3A_298 = arith.xori %iota3A, %xor3A_297 : vector<16xi32>
        %lt3A_299 = arith.constant 0 : i32
        %lt3A_300 = vector.broadcast %lt3A_299 : i32 to vector<16xi32>
        %lt3A_301 = arith.cmpi slt, %xor3A_298, %lt3A_300 : vector<16xi32>
        %add3A_302 = arith.constant 16 : i32
        %add3A_303 = vector.broadcast %add3A_302 : i32 to vector<16xi32>
        %add3A_304 = arith.addi %xor3A_298, %add3A_303 : vector<16xi32>
        %select_n3A_305 = arith.select %lt3A_301, %add3A_304, %xor3A_298 : vector<16xi1>, vector<16xi32>
        %broadcast_in_dim3A_306 = vector.shape_cast %select_n3A_305 : vector<16xi32> to vector<16x1xi32>
        %gather3A_307 = vector.shape_cast %broadcast_in_dim3A_306 : vector<16x1xi32> to vector<16xi32>
        %gather3A_308 = tpu.dynamic_gather %add3A_295[%gather3A_307] in [0] : vector<16xf32>, vector<16xi32> -> vector<16xf32>
        %add3A_309 = arith.addf %add3A_295, %gather3A_308 : vector<16xf32>
        %eq3A_310 = arith.constant 2 : i32
        %eq3A_311 = vector.broadcast %eq3A_310 : i32 to vector<16xi32>
        %eq3A_312 = arith.cmpi eq, %iota3A, %eq3A_311 : vector<16xi32>
        %select_n3A_313 = arith.select %eq3A_312, %add3A_309, %select_n3A_239 : vector<16xi1>, vector<16xf32>
        %get3A_314 = arith.index_cast %scan3A_94 : i32 to index
        %get3A_315 = arith.constant 48 : index
        %get3A_316 = tpu.vector_load %arg12[%get3A_314, %get3A_315] {strides = array<i32>} : memref<40x128xf32, #tpu.memory_space<vmem>>, vector<1x16xf32>,
        %get3A_317 = vector.shape_cast %get3A_316 : vector<1x16xf32> to vector<16xf32>
        %get3A_318 = arith.index_cast %scan3A_94 : i32 to index
        %get3A_319 = arith.constant 48 : index
        %get3A_320 = tpu.vector_load %arg13[%get3A_318, %get3A_319] {strides = array<i32>} : memref<40x128xf32, #tpu.memory_space<vmem>>, vector<1x16xf32>,
        %get3A_321 = vector.shape_cast %get3A_320 : vector<1x16xf32> to vector<16xf32>
        %mul3A_322 = arith.mulf %get3A_317, %get3A_321 : vector<16xf32>
        %get3A_323 = arith.index_cast %scan3A_94 : i32 to index
        %get3A_324 = arith.constant 48 : index
        %get3A_325 = tpu.vector_load %arg15[%get3A_323, %get3A_324] {strides = array<i32>} : memref<40x128xf32, #tpu.memory_space<vmem>>, vector<1x16xf32>,
        %get3A_326 = vector.shape_cast %get3A_325 : vector<1x16xf32> to vector<16xf32>
        %mul3A_327 = arith.mulf %mul3A_322, %get3A_326 : vector<16xf32>
        %xor3A_328 = arith.constant 8 : i32
        %xor3A_329 = vector.broadcast %xor3A_328 : i32 to vector<16xi32>
        %xor3A_330 = arith.xori %iota3A, %xor3A_329 : vector<16xi32>
        %lt3A_331 = arith.constant 0 : i32
        %lt3A_332 = vector.broadcast %lt3A_331 : i32 to vector<16xi32>
        %lt3A_333 = arith.cmpi slt, %xor3A_330, %lt3A_332 : vector<16xi32>
        %add3A_334 = arith.constant 16 : i32
        %add3A_335 = vector.broadcast %add3A_334 : i32 to vector<16xi32>
        %add3A_336 = arith.addi %xor3A_330, %add3A_335 : vector<16xi32>
        %select_n3A_337 = arith.select %lt3A_333, %add3A_336, %xor3A_330 : vector<16xi1>, vector<16xi32>
        %broadcast_in_dim3A_338 = vector.shape_cast %select_n3A_337 : vector<16xi32> to vector<16x1xi32>
        %gather3A_339 = vector.shape_cast %broadcast_in_dim3A_338 : vector<16x1xi32> to vector<16xi32>
        %gather3A_340 = tpu.dynamic_gather %mul3A_327[%gather3A_339] in [0] : vector<16xf32>, vector<16xi32> -> vector<16xf32>
        %add3A_341 = arith.addf %mul3A_327, %gather3A_340 : vector<16xf32>
        %xor3A_342 = arith.constant 4 : i32
        %xor3A_343 = vector.broadcast %xor3A_342 : i32 to vector<16xi32>
        %xor3A_344 = arith.xori %iota3A, %xor3A_343 : vector<16xi32>
        %lt3A_345 = arith.constant 0 : i32
        %lt3A_346 = vector.broadcast %lt3A_345 : i32 to vector<16xi32>
        %lt3A_347 = arith.cmpi slt, %xor3A_344, %lt3A_346 : vector<16xi32>
        %add3A_348 = arith.constant 16 : i32
        %add3A_349 = vector.broadcast %add3A_348 : i32 to vector<16xi32>
        %add3A_350 = arith.addi %xor3A_344, %add3A_349 : vector<16xi32>
        %select_n3A_351 = arith.select %lt3A_347, %add3A_350, %xor3A_344 : vector<16xi1>, vector<16xi32>
        %broadcast_in_dim3A_352 = vector.shape_cast %select_n3A_351 : vector<16xi32> to vector<16x1xi32>
        %gather3A_353 = vector.shape_cast %broadcast_in_dim3A_352 : vector<16x1xi32> to vector<16xi32>
        %gather3A_354 = tpu.dynamic_gather %add3A_341[%gather3A_353] in [0] : vector<16xf32>, vector<16xi32> -> vector<16xf32>
        %add3A_355 = arith.addf %add3A_341, %gather3A_354 : vector<16xf32>
        %xor3A_356 = arith.constant 2 : i32
        %xor3A_357 = vector.broadcast %xor3A_356 : i32 to vector<16xi32>
        %xor3A_358 = arith.xori %iota3A, %xor3A_357 : vector<16xi32>
        %lt3A_359 = arith.constant 0 : i32
        %lt3A_360 = vector.broadcast %lt3A_359 : i32 to vector<16xi32>
        %lt3A_361 = arith.cmpi slt, %xor3A_358, %lt3A_360 : vector<16xi32>
        %add3A_362 = arith.constant 16 : i32
        %add3A_363 = vector.broadcast %add3A_362 : i32 to vector<16xi32>
        %add3A_364 = arith.addi %xor3A_358, %add3A_363 : vector<16xi32>
        %select_n3A_365 = arith.select %lt3A_361, %add3A_364, %xor3A_358 : vector<16xi1>, vector<16xi32>
        %broadcast_in_dim3A_366 = vector.shape_cast %select_n3A_365 : vector<16xi32> to vector<16x1xi32>
        %gather3A_367 = vector.shape_cast %broadcast_in_dim3A_366 : vector<16x1xi32> to vector<16xi32>
        %gather3A_368 = tpu.dynamic_gather %add3A_355[%gather3A_367] in [0] : vector<16xf32>, vector<16xi32> -> vector<16xf32>
        %add3A_369 = arith.addf %add3A_355, %gather3A_368 : vector<16xf32>
        %xor3A_370 = arith.constant 1 : i32
        %xor3A_371 = vector.broadcast %xor3A_370 : i32 to vector<16xi32>
        %xor3A_372 = arith.xori %iota3A, %xor3A_371 : vector<16xi32>
        %lt3A_373 = arith.constant 0 : i32
        %lt3A_374 = vector.broadcast %lt3A_373 : i32 to vector<16xi32>
        %lt3A_375 = arith.cmpi slt, %xor3A_372, %lt3A_374 : vector<16xi32>
        %add3A_376 = arith.constant 16 : i32
        %add3A_377 = vector.broadcast %add3A_376 : i32 to vector<16xi32>
        %add3A_378 = arith.addi %xor3A_372, %add3A_377 : vector<16xi32>
        %select_n3A_379 = arith.select %lt3A_375, %add3A_378, %xor3A_372 : vector<16xi1>, vector<16xi32>
        %broadcast_in_dim3A_380 = vector.shape_cast %select_n3A_379 : vector<16xi32> to vector<16x1xi32>
        %gather3A_381 = vector.shape_cast %broadcast_in_dim3A_380 : vector<16x1xi32> to vector<16xi32>
        %gather3A_382 = tpu.dynamic_gather %add3A_369[%gather3A_381] in [0] : vector<16xf32>, vector<16xi32> -> vector<16xf32>
        %add3A_383 = arith.addf %add3A_369, %gather3A_382 : vector<16xf32>
        %eq3A_384 = arith.constant 3 : i32
        %eq3A_385 = vector.broadcast %eq3A_384 : i32 to vector<16xi32>
        %eq3A_386 = arith.cmpi eq, %iota3A, %eq3A_385 : vector<16xi32>
        %select_n3A_387 = arith.select %eq3A_386, %add3A_383, %select_n3A_313 : vector<16xi1>, vector<16xf32>
        %get3A_388 = arith.index_cast %scan3A_94 : i32 to index
        %get3A_389 = arith.constant 64 : index
        %get3A_390 = tpu.vector_load %arg12[%get3A_388, %get3A_389] {strides = array<i32>} : memref<40x128xf32, #tpu.memory_space<vmem>>, vector<1x16xf32>,
        %get3A_391 = vector.shape_cast %get3A_390 : vector<1x16xf32> to vector<16xf32>
        %get3A_392 = arith.index_cast %scan3A_94 : i32 to index
        %get3A_393 = arith.constant 64 : index
        %get3A_394 = tpu.vector_load %arg13[%get3A_392, %get3A_393] {strides = array<i32>} : memref<40x128xf32, #tpu.memory_space<vmem>>, vector<1x16xf32>,
        %get3A_395 = vector.shape_cast %get3A_394 : vector<1x16xf32> to vector<16xf32>
        %mul3A_396 = arith.mulf %get3A_391, %get3A_395 : vector<16xf32>
        %get3A_397 = arith.index_cast %scan3A_94 : i32 to index
        %get3A_398 = arith.constant 64 : index
        %get3A_399 = tpu.vector_load %arg15[%get3A_397, %get3A_398] {strides = array<i32>} : memref<40x128xf32, #tpu.memory_space<vmem>>, vector<1x16xf32>,
        %get3A_400 = vector.shape_cast %get3A_399 : vector<1x16xf32> to vector<16xf32>
        %mul3A_401 = arith.mulf %mul3A_396, %get3A_400 : vector<16xf32>
        %xor3A_402 = arith.constant 8 : i32
        %xor3A_403 = vector.broadcast %xor3A_402 : i32 to vector<16xi32>
        %xor3A_404 = arith.xori %iota3A, %xor3A_403 : vector<16xi32>
        %lt3A_405 = arith.constant 0 : i32
        %lt3A_406 = vector.broadcast %lt3A_405 : i32 to vector<16xi32>
        %lt3A_407 = arith.cmpi slt, %xor3A_404, %lt3A_406 : vector<16xi32>
        %add3A_408 = arith.constant 16 : i32
        %add3A_409 = vector.broadcast %add3A_408 : i32 to vector<16xi32>
        %add3A_410 = arith.addi %xor3A_404, %add3A_409 : vector<16xi32>
        %select_n3A_411 = arith.select %lt3A_407, %add3A_410, %xor3A_404 : vector<16xi1>, vector<16xi32>
        %broadcast_in_dim3A_412 = vector.shape_cast %select_n3A_411 : vector<16xi32> to vector<16x1xi32>
        %gather3A_413 = vector.shape_cast %broadcast_in_dim3A_412 : vector<16x1xi32> to vector<16xi32>
        %gather3A_414 = tpu.dynamic_gather %mul3A_401[%gather3A_413] in [0] : vector<16xf32>, vector<16xi32> -> vector<16xf32>
        %add3A_415 = arith.addf %mul3A_401, %gather3A_414 : vector<16xf32>
        %xor3A_416 = arith.constant 4 : i32
        %xor3A_417 = vector.broadcast %xor3A_416 : i32 to vector<16xi32>
        %xor3A_418 = arith.xori %iota3A, %xor3A_417 : vector<16xi32>
        %lt3A_419 = arith.constant 0 : i32
        %lt3A_420 = vector.broadcast %lt3A_419 : i32 to vector<16xi32>
        %lt3A_421 = arith.cmpi slt, %xor3A_418, %lt3A_420 : vector<16xi32>
        %add3A_422 = arith.constant 16 : i32
        %add3A_423 = vector.broadcast %add3A_422 : i32 to vector<16xi32>
        %add3A_424 = arith.addi %xor3A_418, %add3A_423 : vector<16xi32>
        %select_n3A_425 = arith.select %lt3A_421, %add3A_424, %xor3A_418 : vector<16xi1>, vector<16xi32>
        %broadcast_in_dim3A_426 = vector.shape_cast %select_n3A_425 : vector<16xi32> to vector<16x1xi32>
        %gather3A_427 = vector.shape_cast %broadcast_in_dim3A_426 : vector<16x1xi32> to vector<16xi32>
        %gather3A_428 = tpu.dynamic_gather %add3A_415[%gather3A_427] in [0] : vector<16xf32>, vector<16xi32> -> vector<16xf32>
        %add3A_429 = arith.addf %add3A_415, %gather3A_428 : vector<16xf32>
        %xor3A_430 = arith.constant 2 : i32
        %xor3A_431 = vector.broadcast %xor3A_430 : i32 to vector<16xi32>
        %xor3A_432 = arith.xori %iota3A, %xor3A_431 : vector<16xi32>
        %lt3A_433 = arith.constant 0 : i32
        %lt3A_434 = vector.broadcast %lt3A_433 : i32 to vector<16xi32>
        %lt3A_435 = arith.cmpi slt, %xor3A_432, %lt3A_434 : vector<16xi32>
        %add3A_436 = arith.constant 16 : i32
        %add3A_437 = vector.broadcast %add3A_436 : i32 to vector<16xi32>
        %add3A_438 = arith.addi %xor3A_432, %add3A_437 : vector<16xi32>
        %select_n3A_439 = arith.select %lt3A_435, %add3A_438, %xor3A_432 : vector<16xi1>, vector<16xi32>
        %broadcast_in_dim3A_440 = vector.shape_cast %select_n3A_439 : vector<16xi32> to vector<16x1xi32>
        %gather3A_441 = vector.shape_cast %broadcast_in_dim3A_440 : vector<16x1xi32> to vector<16xi32>
        %gather3A_442 = tpu.dynamic_gather %add3A_429[%gather3A_441] in [0] : vector<16xf32>, vector<16xi32> -> vector<16xf32>
        %add3A_443 = arith.addf %add3A_429, %gather3A_442 : vector<16xf32>
        %xor3A_444 = arith.constant 1 : i32
        %xor3A_445 = vector.broadcast %xor3A_444 : i32 to vector<16xi32>
        %xor3A_446 = arith.xori %iota3A, %xor3A_445 : vector<16xi32>
        %lt3A_447 = arith.constant 0 : i32
        %lt3A_448 = vector.broadcast %lt3A_447 : i32 to vector<16xi32>
        %lt3A_449 = arith.cmpi slt, %xor3A_446, %lt3A_448 : vector<16xi32>
        %add3A_450 = arith.constant 16 : i32
        %add3A_451 = vector.broadcast %add3A_450 : i32 to vector<16xi32>
        %add3A_452 = arith.addi %xor3A_446, %add3A_451 : vector<16xi32>
        %select_n3A_453 = arith.select %lt3A_449, %add3A_452, %xor3A_446 : vector<16xi1>, vector<16xi32>
        %broadcast_in_dim3A_454 = vector.shape_cast %select_n3A_453 : vector<16xi32> to vector<16x1xi32>
        %gather3A_455 = vector.shape_cast %broadcast_in_dim3A_454 : vector<16x1xi32> to vector<16xi32>
        %gather3A_456 = tpu.dynamic_gather %add3A_443[%gather3A_455] in [0] : vector<16xf32>, vector<16xi32> -> vector<16xf32>
        %add3A_457 = arith.addf %add3A_443, %gather3A_456 : vector<16xf32>
        %eq3A_458 = arith.constant 4 : i32
        %eq3A_459 = vector.broadcast %eq3A_458 : i32 to vector<16xi32>
        %eq3A_460 = arith.cmpi eq, %iota3A, %eq3A_459 : vector<16xi32>
        %select_n3A_461 = arith.select %eq3A_460, %add3A_457, %select_n3A_387 : vector<16xi1>, vector<16xf32>
        %get3A_462 = arith.index_cast %scan3A_94 : i32 to index
        %get3A_463 = arith.constant 80 : index
        %get3A_464 = tpu.vector_load %arg12[%get3A_462, %get3A_463] {strides = array<i32>} : memref<40x128xf32, #tpu.memory_space<vmem>>, vector<1x16xf32>,
        %get3A_465 = vector.shape_cast %get3A_464 : vector<1x16xf32> to vector<16xf32>
        %get3A_466 = arith.index_cast %scan3A_94 : i32 to index
        %get3A_467 = arith.constant 80 : index
        %get3A_468 = tpu.vector_load %arg13[%get3A_466, %get3A_467] {strides = array<i32>} : memref<40x128xf32, #tpu.memory_space<vmem>>, vector<1x16xf32>,
        %get3A_469 = vector.shape_cast %get3A_468 : vector<1x16xf32> to vector<16xf32>
        %mul3A_470 = arith.mulf %get3A_465, %get3A_469 : vector<16xf32>
        %get3A_471 = arith.index_cast %scan3A_94 : i32 to index
        %get3A_472 = arith.constant 80 : index
        %get3A_473 = tpu.vector_load %arg15[%get3A_471, %get3A_472] {strides = array<i32>} : memref<40x128xf32, #tpu.memory_space<vmem>>, vector<1x16xf32>,
        %get3A_474 = vector.shape_cast %get3A_473 : vector<1x16xf32> to vector<16xf32>
        %mul3A_475 = arith.mulf %mul3A_470, %get3A_474 : vector<16xf32>
        %xor3A_476 = arith.constant 8 : i32
        %xor3A_477 = vector.broadcast %xor3A_476 : i32 to vector<16xi32>
        %xor3A_478 = arith.xori %iota3A, %xor3A_477 : vector<16xi32>
        %lt3A_479 = arith.constant 0 : i32
        %lt3A_480 = vector.broadcast %lt3A_479 : i32 to vector<16xi32>
        %lt3A_481 = arith.cmpi slt, %xor3A_478, %lt3A_480 : vector<16xi32>
        %add3A_482 = arith.constant 16 : i32
        %add3A_483 = vector.broadcast %add3A_482 : i32 to vector<16xi32>
        %add3A_484 = arith.addi %xor3A_478, %add3A_483 : vector<16xi32>
        %select_n3A_485 = arith.select %lt3A_481, %add3A_484, %xor3A_478 : vector<16xi1>, vector<16xi32>
        %broadcast_in_dim3A_486 = vector.shape_cast %select_n3A_485 : vector<16xi32> to vector<16x1xi32>
        %gather3A_487 = vector.shape_cast %broadcast_in_dim3A_486 : vector<16x1xi32> to vector<16xi32>
        %gather3A_488 = tpu.dynamic_gather %mul3A_475[%gather3A_487] in [0] : vector<16xf32>, vector<16xi32> -> vector<16xf32>
        %add3A_489 = arith.addf %mul3A_475, %gather3A_488 : vector<16xf32>
        %xor3A_490 = arith.constant 4 : i32
        %xor3A_491 = vector.broadcast %xor3A_490 : i32 to vector<16xi32>
        %xor3A_492 = arith.xori %iota3A, %xor3A_491 : vector<16xi32>
        %lt3A_493 = arith.constant 0 : i32
        %lt3A_494 = vector.broadcast %lt3A_493 : i32 to vector<16xi32>
        %lt3A_495 = arith.cmpi slt, %xor3A_492, %lt3A_494 : vector<16xi32>
        %add3A_496 = arith.constant 16 : i32
        %add3A_497 = vector.broadcast %add3A_496 : i32 to vector<16xi32>
        %add3A_498 = arith.addi %xor3A_492, %add3A_497 : vector<16xi32>
        %select_n3A_499 = arith.select %lt3A_495, %add3A_498, %xor3A_492 : vector<16xi1>, vector<16xi32>
        %broadcast_in_dim3A_500 = vector.shape_cast %select_n3A_499 : vector<16xi32> to vector<16x1xi32>
        %gather3A_501 = vector.shape_cast %broadcast_in_dim3A_500 : vector<16x1xi32> to vector<16xi32>
        %gather3A_502 = tpu.dynamic_gather %add3A_489[%gather3A_501] in [0] : vector<16xf32>, vector<16xi32> -> vector<16xf32>
        %add3A_503 = arith.addf %add3A_489, %gather3A_502 : vector<16xf32>
        %xor3A_504 = arith.constant 2 : i32
        %xor3A_505 = vector.broadcast %xor3A_504 : i32 to vector<16xi32>
        %xor3A_506 = arith.xori %iota3A, %xor3A_505 : vector<16xi32>
        %lt3A_507 = arith.constant 0 : i32
        %lt3A_508 = vector.broadcast %lt3A_507 : i32 to vector<16xi32>
        %lt3A_509 = arith.cmpi slt, %xor3A_506, %lt3A_508 : vector<16xi32>
        %add3A_510 = arith.constant 16 : i32
        %add3A_511 = vector.broadcast %add3A_510 : i32 to vector<16xi32>
        %add3A_512 = arith.addi %xor3A_506, %add3A_511 : vector<16xi32>
        %select_n3A_513 = arith.select %lt3A_509, %add3A_512, %xor3A_506 : vector<16xi1>, vector<16xi32>
        %broadcast_in_dim3A_514 = vector.shape_cast %select_n3A_513 : vector<16xi32> to vector<16x1xi32>
        %gather3A_515 = vector.shape_cast %broadcast_in_dim3A_514 : vector<16x1xi32> to vector<16xi32>
        %gather3A_516 = tpu.dynamic_gather %add3A_503[%gather3A_515] in [0] : vector<16xf32>, vector<16xi32> -> vector<16xf32>
        %add3A_517 = arith.addf %add3A_503, %gather3A_516 : vector<16xf32>
        %xor3A_518 = arith.constant 1 : i32
        %xor3A_519 = vector.broadcast %xor3A_518 : i32 to vector<16xi32>
        %xor3A_520 = arith.xori %iota3A, %xor3A_519 : vector<16xi32>
        %lt3A_521 = arith.constant 0 : i32
        %lt3A_522 = vector.broadcast %lt3A_521 : i32 to vector<16xi32>
        %lt3A_523 = arith.cmpi slt, %xor3A_520, %lt3A_522 : vector<16xi32>
        %add3A_524 = arith.constant 16 : i32
        %add3A_525 = vector.broadcast %add3A_524 : i32 to vector<16xi32>
        %add3A_526 = arith.addi %xor3A_520, %add3A_525 : vector<16xi32>
        %select_n3A_527 = arith.select %lt3A_523, %add3A_526, %xor3A_520 : vector<16xi1>, vector<16xi32>
        %broadcast_in_dim3A_528 = vector.shape_cast %select_n3A_527 : vector<16xi32> to vector<16x1xi32>
        %gather3A_529 = vector.shape_cast %broadcast_in_dim3A_528 : vector<16x1xi32> to vector<16xi32>
        %gather3A_530 = tpu.dynamic_gather %add3A_517[%gather3A_529] in [0] : vector<16xf32>, vector<16xi32> -> vector<16xf32>
        %add3A_531 = arith.addf %add3A_517, %gather3A_530 : vector<16xf32>
        %eq3A_532 = arith.constant 5 : i32
        %eq3A_533 = vector.broadcast %eq3A_532 : i32 to vector<16xi32>
        %eq3A_534 = arith.cmpi eq, %iota3A, %eq3A_533 : vector<16xi32>
        %select_n3A_535 = arith.select %eq3A_534, %add3A_531, %select_n3A_461 : vector<16xi1>, vector<16xf32>
        %get3A_536 = arith.index_cast %scan3A_94 : i32 to index
        %get3A_537 = arith.constant 96 : index
        %get3A_538 = tpu.vector_load %arg12[%get3A_536, %get3A_537] {strides = array<i32>} : memref<40x128xf32, #tpu.memory_space<vmem>>, vector<1x16xf32>,
        %get3A_539 = vector.shape_cast %get3A_538 : vector<1x16xf32> to vector<16xf32>
        %get3A_540 = arith.index_cast %scan3A_94 : i32 to index
        %get3A_541 = arith.constant 96 : index
        %get3A_542 = tpu.vector_load %arg13[%get3A_540, %get3A_541] {strides = array<i32>} : memref<40x128xf32, #tpu.memory_space<vmem>>, vector<1x16xf32>,
        %get3A_543 = vector.shape_cast %get3A_542 : vector<1x16xf32> to vector<16xf32>
        %mul3A_544 = arith.mulf %get3A_539, %get3A_543 : vector<16xf32>
        %get3A_545 = arith.index_cast %scan3A_94 : i32 to index
        %get3A_546 = arith.constant 96 : index
        %get3A_547 = tpu.vector_load %arg15[%get3A_545, %get3A_546] {strides = array<i32>} : memref<40x128xf32, #tpu.memory_space<vmem>>, vector<1x16xf32>,
        %get3A_548 = vector.shape_cast %get3A_547 : vector<1x16xf32> to vector<16xf32>
        %mul3A_549 = arith.mulf %mul3A_544, %get3A_548 : vector<16xf32>
        %xor3A_550 = arith.constant 8 : i32
        %xor3A_551 = vector.broadcast %xor3A_550 : i32 to vector<16xi32>
        %xor3A_552 = arith.xori %iota3A, %xor3A_551 : vector<16xi32>
        %lt3A_553 = arith.constant 0 : i32
        %lt3A_554 = vector.broadcast %lt3A_553 : i32 to vector<16xi32>
        %lt3A_555 = arith.cmpi slt, %xor3A_552, %lt3A_554 : vector<16xi32>
        %add3A_556 = arith.constant 16 : i32
        %add3A_557 = vector.broadcast %add3A_556 : i32 to vector<16xi32>
        %add3A_558 = arith.addi %xor3A_552, %add3A_557 : vector<16xi32>
        %select_n3A_559 = arith.select %lt3A_555, %add3A_558, %xor3A_552 : vector<16xi1>, vector<16xi32>
        %broadcast_in_dim3A_560 = vector.shape_cast %select_n3A_559 : vector<16xi32> to vector<16x1xi32>
        %gather3A_561 = vector.shape_cast %broadcast_in_dim3A_560 : vector<16x1xi32> to vector<16xi32>
        %gather3A_562 = tpu.dynamic_gather %mul3A_549[%gather3A_561] in [0] : vector<16xf32>, vector<16xi32> -> vector<16xf32>
        %add3A_563 = arith.addf %mul3A_549, %gather3A_562 : vector<16xf32>
        %xor3A_564 = arith.constant 4 : i32
        %xor3A_565 = vector.broadcast %xor3A_564 : i32 to vector<16xi32>
        %xor3A_566 = arith.xori %iota3A, %xor3A_565 : vector<16xi32>
        %lt3A_567 = arith.constant 0 : i32
        %lt3A_568 = vector.broadcast %lt3A_567 : i32 to vector<16xi32>
        %lt3A_569 = arith.cmpi slt, %xor3A_566, %lt3A_568 : vector<16xi32>
        %add3A_570 = arith.constant 16 : i32
        %add3A_571 = vector.broadcast %add3A_570 : i32 to vector<16xi32>
        %add3A_572 = arith.addi %xor3A_566, %add3A_571 : vector<16xi32>
        %select_n3A_573 = arith.select %lt3A_569, %add3A_572, %xor3A_566 : vector<16xi1>, vector<16xi32>
        %broadcast_in_dim3A_574 = vector.shape_cast %select_n3A_573 : vector<16xi32> to vector<16x1xi32>
        %gather3A_575 = vector.shape_cast %broadcast_in_dim3A_574 : vector<16x1xi32> to vector<16xi32>
        %gather3A_576 = tpu.dynamic_gather %add3A_563[%gather3A_575] in [0] : vector<16xf32>, vector<16xi32> -> vector<16xf32>
        %add3A_577 = arith.addf %add3A_563, %gather3A_576 : vector<16xf32>
        %xor3A_578 = arith.constant 2 : i32
        %xor3A_579 = vector.broadcast %xor3A_578 : i32 to vector<16xi32>
        %xor3A_580 = arith.xori %iota3A, %xor3A_579 : vector<16xi32>
        %lt3A_581 = arith.constant 0 : i32
        %lt3A_582 = vector.broadcast %lt3A_581 : i32 to vector<16xi32>
        %lt3A_583 = arith.cmpi slt, %xor3A_580, %lt3A_582 : vector<16xi32>
        %add3A_584 = arith.constant 16 : i32
        %add3A_585 = vector.broadcast %add3A_584 : i32 to vector<16xi32>
        %add3A_586 = arith.addi %xor3A_580, %add3A_585 : vector<16xi32>
        %select_n3A_587 = arith.select %lt3A_583, %add3A_586, %xor3A_580 : vector<16xi1>, vector<16xi32>
        %broadcast_in_dim3A_588 = vector.shape_cast %select_n3A_587 : vector<16xi32> to vector<16x1xi32>
        %gather3A_589 = vector.shape_cast %broadcast_in_dim3A_588 : vector<16x1xi32> to vector<16xi32>
        %gather3A_590 = tpu.dynamic_gather %add3A_577[%gather3A_589] in [0] : vector<16xf32>, vector<16xi32> -> vector<16xf32>
        %add3A_591 = arith.addf %add3A_577, %gather3A_590 : vector<16xf32>
        %xor3A_592 = arith.constant 1 : i32
        %xor3A_593 = vector.broadcast %xor3A_592 : i32 to vector<16xi32>
        %xor3A_594 = arith.xori %iota3A, %xor3A_593 : vector<16xi32>
        %lt3A_595 = arith.constant 0 : i32
        %lt3A_596 = vector.broadcast %lt3A_595 : i32 to vector<16xi32>
        %lt3A_597 = arith.cmpi slt, %xor3A_594, %lt3A_596 : vector<16xi32>
        %add3A_598 = arith.constant 16 : i32
        %add3A_599 = vector.broadcast %add3A_598 : i32 to vector<16xi32>
        %add3A_600 = arith.addi %xor3A_594, %add3A_599 : vector<16xi32>
        %select_n3A_601 = arith.select %lt3A_597, %add3A_600, %xor3A_594 : vector<16xi1>, vector<16xi32>
        %broadcast_in_dim3A_602 = vector.shape_cast %select_n3A_601 : vector<16xi32> to vector<16x1xi32>
        %gather3A_603 = vector.shape_cast %broadcast_in_dim3A_602 : vector<16x1xi32> to vector<16xi32>
        %gather3A_604 = tpu.dynamic_gather %add3A_591[%gather3A_603] in [0] : vector<16xf32>, vector<16xi32> -> vector<16xf32>
        %add3A_605 = arith.addf %add3A_591, %gather3A_604 : vector<16xf32>
        %eq3A_606 = arith.constant 6 : i32
        %eq3A_607 = vector.broadcast %eq3A_606 : i32 to vector<16xi32>
        %eq3A_608 = arith.cmpi eq, %iota3A, %eq3A_607 : vector<16xi32>
        %select_n3A_609 = arith.select %eq3A_608, %add3A_605, %select_n3A_535 : vector<16xi1>, vector<16xf32>
        %get3A_610 = arith.index_cast %scan3A_94 : i32 to index
        %get3A_611 = arith.constant 112 : index
        %get3A_612 = tpu.vector_load %arg12[%get3A_610, %get3A_611] {strides = array<i32>} : memref<40x128xf32, #tpu.memory_space<vmem>>, vector<1x16xf32>,
        %get3A_613 = vector.shape_cast %get3A_612 : vector<1x16xf32> to vector<16xf32>
        %get3A_614 = arith.index_cast %scan3A_94 : i32 to index
        %get3A_615 = arith.constant 112 : index
        %get3A_616 = tpu.vector_load %arg13[%get3A_614, %get3A_615] {strides = array<i32>} : memref<40x128xf32, #tpu.memory_space<vmem>>, vector<1x16xf32>,
        %get3A_617 = vector.shape_cast %get3A_616 : vector<1x16xf32> to vector<16xf32>
        %mul3A_618 = arith.mulf %get3A_613, %get3A_617 : vector<16xf32>
        %get3A_619 = arith.index_cast %scan3A_94 : i32 to index
        %get3A_620 = arith.constant 112 : index
        %get3A_621 = tpu.vector_load %arg15[%get3A_619, %get3A_620] {strides = array<i32>} : memref<40x128xf32, #tpu.memory_space<vmem>>, vector<1x16xf32>,
        %get3A_622 = vector.shape_cast %get3A_621 : vector<1x16xf32> to vector<16xf32>
        %mul3A_623 = arith.mulf %mul3A_618, %get3A_622 : vector<16xf32>
        %xor3A_624 = arith.constant 8 : i32
        %xor3A_625 = vector.broadcast %xor3A_624 : i32 to vector<16xi32>
        %xor3A_626 = arith.xori %iota3A, %xor3A_625 : vector<16xi32>
        %lt3A_627 = arith.constant 0 : i32
        %lt3A_628 = vector.broadcast %lt3A_627 : i32 to vector<16xi32>
        %lt3A_629 = arith.cmpi slt, %xor3A_626, %lt3A_628 : vector<16xi32>
        %add3A_630 = arith.constant 16 : i32
        %add3A_631 = vector.broadcast %add3A_630 : i32 to vector<16xi32>
        %add3A_632 = arith.addi %xor3A_626, %add3A_631 : vector<16xi32>
        %select_n3A_633 = arith.select %lt3A_629, %add3A_632, %xor3A_626 : vector<16xi1>, vector<16xi32>
        %broadcast_in_dim3A_634 = vector.shape_cast %select_n3A_633 : vector<16xi32> to vector<16x1xi32>
        %gather3A_635 = vector.shape_cast %broadcast_in_dim3A_634 : vector<16x1xi32> to vector<16xi32>
        %gather3A_636 = tpu.dynamic_gather %mul3A_623[%gather3A_635] in [0] : vector<16xf32>, vector<16xi32> -> vector<16xf32>
        %add3A_637 = arith.addf %mul3A_623, %gather3A_636 : vector<16xf32>
        %xor3A_638 = arith.constant 4 : i32
        %xor3A_639 = vector.broadcast %xor3A_638 : i32 to vector<16xi32>
        %xor3A_640 = arith.xori %iota3A, %xor3A_639 : vector<16xi32>
        %lt3A_641 = arith.constant 0 : i32
        %lt3A_642 = vector.broadcast %lt3A_641 : i32 to vector<16xi32>
        %lt3A_643 = arith.cmpi slt, %xor3A_640, %lt3A_642 : vector<16xi32>
        %add3A_644 = arith.constant 16 : i32
        %add3A_645 = vector.broadcast %add3A_644 : i32 to vector<16xi32>
        %add3A_646 = arith.addi %xor3A_640, %add3A_645 : vector<16xi32>
        %select_n3A_647 = arith.select %lt3A_643, %add3A_646, %xor3A_640 : vector<16xi1>, vector<16xi32>
        %broadcast_in_dim3A_648 = vector.shape_cast %select_n3A_647 : vector<16xi32> to vector<16x1xi32>
        %gather3A_649 = vector.shape_cast %broadcast_in_dim3A_648 : vector<16x1xi32> to vector<16xi32>
        %gather3A_650 = tpu.dynamic_gather %add3A_637[%gather3A_649] in [0] : vector<16xf32>, vector<16xi32> -> vector<16xf32>
        %add3A_651 = arith.addf %add3A_637, %gather3A_650 : vector<16xf32>
        %xor3A_652 = arith.constant 2 : i32
        %xor3A_653 = vector.broadcast %xor3A_652 : i32 to vector<16xi32>
        %xor3A_654 = arith.xori %iota3A, %xor3A_653 : vector<16xi32>
        %lt3A_655 = arith.constant 0 : i32
        %lt3A_656 = vector.broadcast %lt3A_655 : i32 to vector<16xi32>
        %lt3A_657 = arith.cmpi slt, %xor3A_654, %lt3A_656 : vector<16xi32>
        %add3A_658 = arith.constant 16 : i32
        %add3A_659 = vector.broadcast %add3A_658 : i32 to vector<16xi32>
        %add3A_660 = arith.addi %xor3A_654, %add3A_659 : vector<16xi32>
        %select_n3A_661 = arith.select %lt3A_657, %add3A_660, %xor3A_654 : vector<16xi1>, vector<16xi32>
        %broadcast_in_dim3A_662 = vector.shape_cast %select_n3A_661 : vector<16xi32> to vector<16x1xi32>
        %gather3A_663 = vector.shape_cast %broadcast_in_dim3A_662 : vector<16x1xi32> to vector<16xi32>
        %gather3A_664 = tpu.dynamic_gather %add3A_651[%gather3A_663] in [0] : vector<16xf32>, vector<16xi32> -> vector<16xf32>
        %add3A_665 = arith.addf %add3A_651, %gather3A_664 : vector<16xf32>
        %xor3A_666 = arith.constant 1 : i32
        %xor3A_667 = vector.broadcast %xor3A_666 : i32 to vector<16xi32>
        %xor3A_668 = arith.xori %iota3A, %xor3A_667 : vector<16xi32>
        %lt3A_669 = arith.constant 0 : i32
        %lt3A_670 = vector.broadcast %lt3A_669 : i32 to vector<16xi32>
        %lt3A_671 = arith.cmpi slt, %xor3A_668, %lt3A_670 : vector<16xi32>
        %add3A_672 = arith.constant 16 : i32
        %add3A_673 = vector.broadcast %add3A_672 : i32 to vector<16xi32>
        %add3A_674 = arith.addi %xor3A_668, %add3A_673 : vector<16xi32>
        %select_n3A_675 = arith.select %lt3A_671, %add3A_674, %xor3A_668 : vector<16xi1>, vector<16xi32>
        %broadcast_in_dim3A_676 = vector.shape_cast %select_n3A_675 : vector<16xi32> to vector<16x1xi32>
        %gather3A_677 = vector.shape_cast %broadcast_in_dim3A_676 : vector<16x1xi32> to vector<16xi32>
        %gather3A_678 = tpu.dynamic_gather %add3A_665[%gather3A_677] in [0] : vector<16xf32>, vector<16xi32> -> vector<16xf32>
        %add3A_679 = arith.addf %add3A_665, %gather3A_678 : vector<16xf32>
        %eq3A_680 = arith.constant 7 : i32
        %eq3A_681 = vector.broadcast %eq3A_680 : i32 to vector<16xi32>
        %eq3A_682 = arith.cmpi eq, %iota3A, %eq3A_681 : vector<16xi32>
        %select_n3A_683 = arith.select %eq3A_682, %add3A_679, %select_n3A_609 : vector<16xi1>, vector<16xf32>
        %mul3A_684 = arith.constant 2.500000e-01 : f32
        %mul3A_685 = vector.broadcast %mul3A_684 : f32 to vector<16xf32>
        %mul3A_686 = arith.mulf %select_n3A_683, %mul3A_685 : vector<16xf32>
        %jit3A = arith.constant -5.000000e+00 : f32
        %jit3A_687 = arith.constant 5.000000e+00 : f32
        %max3A = vector.broadcast %jit3A : f32 to vector<16xf32>
        %max3A_688 = arith.maximumf %max3A, %mul3A_686 : vector<16xf32>
        %min3A = vector.broadcast %jit3A_687 : f32 to vector<16xf32>
        %min3A_689 = arith.minimumf %min3A, %max3A_688 : vector<16xf32>
        %lt3A_690 = arith.constant 8 : i32
        %lt3A_691 = vector.broadcast %lt3A_690 : i32 to vector<16xi32>
        %lt3A_692 = arith.cmpi slt, %iota3A, %lt3A_691 : vector<16xi32>
        %exp3A = math.exp %min3A_689 : vector<16xf32>
        %jit3A_693 = arith.constant 0.000000e+00 : f32
        %broadcast_in_dim3A_694 = vector.broadcast %jit3A_693 : f32 to vector<16xf32>
        %select_n3A_695 = arith.select %lt3A_692, %exp3A, %broadcast_in_dim3A_694 : vector<16xi1>, vector<16xf32>
        %swap3A = arith.index_cast %scan3A_94 : i32 to index
        %swap3A_696 = arith.constant 0 : index
        %swap3A_697 = tpu.vector_load %arg16[%swap3A, %swap3A_696] {strides = array<i32>} : memref<40x16xf32, #tpu.memory_space<vmem>>, vector<1x16xf32>,
        %swap3A_698 = vector.shape_cast %swap3A_697 : vector<1x16xf32> to vector<16xf32>
        %swap3A_699 = vector.shape_cast %select_n3A_695 : vector<16xf32> to vector<1x16xf32>
        tpu.vector_store %arg16[%swap3A, %swap3A_696], %swap3A_699 {strides = array<i32>} : memref<40x16xf32, #tpu.memory_space<vmem>>, vector<1x16xf32>,
        %add3A_700 = arith.constant 0 : i32
        %add3A_701 = vector.broadcast %add3A_700 : i32 to vector<16xi32>
        %add3A_702 = arith.addi %mul3A_1, %add3A_701 : vector<16xi32>
        %lt3A_703 = arith.constant 0 : i32
        %lt3A_704 = vector.broadcast %lt3A_703 : i32 to vector<16xi32>
        %lt3A_705 = arith.cmpi slt, %add3A_702, %lt3A_704 : vector<16xi32>
        %add3A_706 = arith.constant 16 : i32
        %add3A_707 = vector.broadcast %add3A_706 : i32 to vector<16xi32>
        %add3A_708 = arith.addi %add3A_702, %add3A_707 : vector<16xi32>
        %select_n3A_709 = arith.select %lt3A_705, %add3A_708, %add3A_702 : vector<16xi1>, vector<16xi32>
        %broadcast_in_dim3A_710 = vector.shape_cast %select_n3A_709 : vector<16xi32> to vector<16x1xi32>
        %gather3A_711 = vector.shape_cast %broadcast_in_dim3A_710 : vector<16x1xi32> to vector<16xi32>
        %gather3A_712 = tpu.dynamic_gather %select_n3A_695[%gather3A_711] in [0] : vector<16xf32>, vector<16xi32> -> vector<16xf32>
        %get3A_713 = arith.index_cast %scan3A_94 : i32 to index
        %get3A_714 = arith.constant 0 : index
        %get3A_715 = tpu.vector_load %arg14[%get3A_713, %get3A_714] {strides = array<i32>} : memref<40x128xf32, #tpu.memory_space<vmem>>, vector<1x16xf32>,
        %get3A_716 = vector.shape_cast %get3A_715 : vector<1x16xf32> to vector<16xf32>
        %mul3A_717 = arith.mulf %gather3A_712, %get3A_716 : vector<16xf32>
        %swap3A_718 = arith.index_cast %scan3A_94 : i32 to index
        %swap3A_719 = arith.constant 0 : index
        %swap3A_720 = tpu.vector_load %arg13[%swap3A_718, %swap3A_719] {strides = array<i32>} : memref<40x128xf32, #tpu.memory_space<vmem>>, vector<1x16xf32>,
        %swap3A_721 = vector.shape_cast %swap3A_720 : vector<1x16xf32> to vector<16xf32>
        %swap3A_722 = vector.shape_cast %mul3A_717 : vector<16xf32> to vector<1x16xf32>
        tpu.vector_store %arg13[%swap3A_718, %swap3A_719], %swap3A_722 {strides = array<i32>} : memref<40x128xf32, #tpu.memory_space<vmem>>, vector<1x16xf32>,
        %add3A_723 = arith.constant 1 : i32
        %add3A_724 = vector.broadcast %add3A_723 : i32 to vector<16xi32>
        %add3A_725 = arith.addi %mul3A_1, %add3A_724 : vector<16xi32>
        %lt3A_726 = arith.constant 0 : i32
        %lt3A_727 = vector.broadcast %lt3A_726 : i32 to vector<16xi32>
        %lt3A_728 = arith.cmpi slt, %add3A_725, %lt3A_727 : vector<16xi32>
        %add3A_729 = arith.constant 16 : i32
        %add3A_730 = vector.broadcast %add3A_729 : i32 to vector<16xi32>
        %add3A_731 = arith.addi %add3A_725, %add3A_730 : vector<16xi32>
        %select_n3A_732 = arith.select %lt3A_728, %add3A_731, %add3A_725 : vector<16xi1>, vector<16xi32>
        %broadcast_in_dim3A_733 = vector.shape_cast %select_n3A_732 : vector<16xi32> to vector<16x1xi32>
        %gather3A_734 = vector.shape_cast %broadcast_in_dim3A_733 : vector<16x1xi32> to vector<16xi32>
        %gather3A_735 = tpu.dynamic_gather %select_n3A_695[%gather3A_734] in [0] : vector<16xf32>, vector<16xi32> -> vector<16xf32>
        %get3A_736 = arith.index_cast %scan3A_94 : i32 to index
        %get3A_737 = arith.constant 16 : index
        %get3A_738 = tpu.vector_load %arg14[%get3A_736, %get3A_737] {strides = array<i32>} : memref<40x128xf32, #tpu.memory_space<vmem>>, vector<1x16xf32>,
        %get3A_739 = vector.shape_cast %get3A_738 : vector<1x16xf32> to vector<16xf32>
        %mul3A_740 = arith.mulf %gather3A_735, %get3A_739 : vector<16xf32>
        %swap3A_741 = arith.index_cast %scan3A_94 : i32 to index
        %swap3A_742 = arith.constant 16 : index
        %swap3A_743 = tpu.vector_load %arg13[%swap3A_741, %swap3A_742] {strides = array<i32>} : memref<40x128xf32, #tpu.memory_space<vmem>>, vector<1x16xf32>,
        %swap3A_744 = vector.shape_cast %swap3A_743 : vector<1x16xf32> to vector<16xf32>
        %swap3A_745 = vector.shape_cast %mul3A_740 : vector<16xf32> to vector<1x16xf32>
        tpu.vector_store %arg13[%swap3A_741, %swap3A_742], %swap3A_745 {strides = array<i32>} : memref<40x128xf32, #tpu.memory_space<vmem>>, vector<1x16xf32>,
        %add3A_746 = arith.constant 2 : i32
        %add3A_747 = vector.broadcast %add3A_746 : i32 to vector<16xi32>
        %add3A_748 = arith.addi %mul3A_1, %add3A_747 : vector<16xi32>
        %lt3A_749 = arith.constant 0 : i32
        %lt3A_750 = vector.broadcast %lt3A_749 : i32 to vector<16xi32>
        %lt3A_751 = arith.cmpi slt, %add3A_748, %lt3A_750 : vector<16xi32>
        %add3A_752 = arith.constant 16 : i32
        %add3A_753 = vector.broadcast %add3A_752 : i32 to vector<16xi32>
        %add3A_754 = arith.addi %add3A_748, %add3A_753 : vector<16xi32>
        %select_n3A_755 = arith.select %lt3A_751, %add3A_754, %add3A_748 : vector<16xi1>, vector<16xi32>
        %broadcast_in_dim3A_756 = vector.shape_cast %select_n3A_755 : vector<16xi32> to vector<16x1xi32>
        %gather3A_757 = vector.shape_cast %broadcast_in_dim3A_756 : vector<16x1xi32> to vector<16xi32>
        %gather3A_758 = tpu.dynamic_gather %select_n3A_695[%gather3A_757] in [0] : vector<16xf32>, vector<16xi32> -> vector<16xf32>
        %get3A_759 = arith.index_cast %scan3A_94 : i32 to index
        %get3A_760 = arith.constant 32 : index
        %get3A_761 = tpu.vector_load %arg14[%get3A_759, %get3A_760] {strides = array<i32>} : memref<40x128xf32, #tpu.memory_space<vmem>>, vector<1x16xf32>,
        %get3A_762 = vector.shape_cast %get3A_761 : vector<1x16xf32> to vector<16xf32>
        %mul3A_763 = arith.mulf %gather3A_758, %get3A_762 : vector<16xf32>
        %swap3A_764 = arith.index_cast %scan3A_94 : i32 to index
        %swap3A_765 = arith.constant 32 : index
        %swap3A_766 = tpu.vector_load %arg13[%swap3A_764, %swap3A_765] {strides = array<i32>} : memref<40x128xf32, #tpu.memory_space<vmem>>, vector<1x16xf32>,
        %swap3A_767 = vector.shape_cast %swap3A_766 : vector<1x16xf32> to vector<16xf32>
        %swap3A_768 = vector.shape_cast %mul3A_763 : vector<16xf32> to vector<1x16xf32>
        tpu.vector_store %arg13[%swap3A_764, %swap3A_765], %swap3A_768 {strides = array<i32>} : memref<40x128xf32, #tpu.memory_space<vmem>>, vector<1x16xf32>,
        %add3A_769 = arith.constant 3 : i32
        %add3A_770 = vector.broadcast %add3A_769 : i32 to vector<16xi32>
        %add3A_771 = arith.addi %mul3A_1, %add3A_770 : vector<16xi32>
        %lt3A_772 = arith.constant 0 : i32
        %lt3A_773 = vector.broadcast %lt3A_772 : i32 to vector<16xi32>
        %lt3A_774 = arith.cmpi slt, %add3A_771, %lt3A_773 : vector<16xi32>
        %add3A_775 = arith.constant 16 : i32
        %add3A_776 = vector.broadcast %add3A_775 : i32 to vector<16xi32>
        %add3A_777 = arith.addi %add3A_771, %add3A_776 : vector<16xi32>
        %select_n3A_778 = arith.select %lt3A_774, %add3A_777, %add3A_771 : vector<16xi1>, vector<16xi32>
        %broadcast_in_dim3A_779 = vector.shape_cast %select_n3A_778 : vector<16xi32> to vector<16x1xi32>
        %gather3A_780 = vector.shape_cast %broadcast_in_dim3A_779 : vector<16x1xi32> to vector<16xi32>
        %gather3A_781 = tpu.dynamic_gather %select_n3A_695[%gather3A_780] in [0] : vector<16xf32>, vector<16xi32> -> vector<16xf32>
        %get3A_782 = arith.index_cast %scan3A_94 : i32 to index
        %get3A_783 = arith.constant 48 : index
        %get3A_784 = tpu.vector_load %arg14[%get3A_782, %get3A_783] {strides = array<i32>} : memref<40x128xf32, #tpu.memory_space<vmem>>, vector<1x16xf32>,
        %get3A_785 = vector.shape_cast %get3A_784 : vector<1x16xf32> to vector<16xf32>
        %mul3A_786 = arith.mulf %gather3A_781, %get3A_785 : vector<16xf32>
        %swap3A_787 = arith.index_cast %scan3A_94 : i32 to index
        %swap3A_788 = arith.constant 48 : index
        %swap3A_789 = tpu.vector_load %arg13[%swap3A_787, %swap3A_788] {strides = array<i32>} : memref<40x128xf32, #tpu.memory_space<vmem>>, vector<1x16xf32>,
        %swap3A_790 = vector.shape_cast %swap3A_789 : vector<1x16xf32> to vector<16xf32>
        %swap3A_791 = vector.shape_cast %mul3A_786 : vector<16xf32> to vector<1x16xf32>
        tpu.vector_store %arg13[%swap3A_787, %swap3A_788], %swap3A_791 {strides = array<i32>} : memref<40x128xf32, #tpu.memory_space<vmem>>, vector<1x16xf32>,
        %add3A_792 = arith.constant 4 : i32
        %add3A_793 = vector.broadcast %add3A_792 : i32 to vector<16xi32>
        %add3A_794 = arith.addi %mul3A_1, %add3A_793 : vector<16xi32>
        %lt3A_795 = arith.constant 0 : i32
        %lt3A_796 = vector.broadcast %lt3A_795 : i32 to vector<16xi32>
        %lt3A_797 = arith.cmpi slt, %add3A_794, %lt3A_796 : vector<16xi32>
        %add3A_798 = arith.constant 16 : i32
        %add3A_799 = vector.broadcast %add3A_798 : i32 to vector<16xi32>
        %add3A_800 = arith.addi %add3A_794, %add3A_799 : vector<16xi32>
        %select_n3A_801 = arith.select %lt3A_797, %add3A_800, %add3A_794 : vector<16xi1>, vector<16xi32>
        %broadcast_in_dim3A_802 = vector.shape_cast %select_n3A_801 : vector<16xi32> to vector<16x1xi32>
        %gather3A_803 = vector.shape_cast %broadcast_in_dim3A_802 : vector<16x1xi32> to vector<16xi32>
        %gather3A_804 = tpu.dynamic_gather %select_n3A_695[%gather3A_803] in [0] : vector<16xf32>, vector<16xi32> -> vector<16xf32>
        %get3A_805 = arith.index_cast %scan3A_94 : i32 to index
        %get3A_806 = arith.constant 64 : index
        %get3A_807 = tpu.vector_load %arg14[%get3A_805, %get3A_806] {strides = array<i32>} : memref<40x128xf32, #tpu.memory_space<vmem>>, vector<1x16xf32>,
        %get3A_808 = vector.shape_cast %get3A_807 : vector<1x16xf32> to vector<16xf32>
        %mul3A_809 = arith.mulf %gather3A_804, %get3A_808 : vector<16xf32>
        %swap3A_810 = arith.index_cast %scan3A_94 : i32 to index
        %swap3A_811 = arith.constant 64 : index
        %swap3A_812 = tpu.vector_load %arg13[%swap3A_810, %swap3A_811] {strides = array<i32>} : memref<40x128xf32, #tpu.memory_space<vmem>>, vector<1x16xf32>,
        %swap3A_813 = vector.shape_cast %swap3A_812 : vector<1x16xf32> to vector<16xf32>
        %swap3A_814 = vector.shape_cast %mul3A_809 : vector<16xf32> to vector<1x16xf32>
        tpu.vector_store %arg13[%swap3A_810, %swap3A_811], %swap3A_814 {strides = array<i32>} : memref<40x128xf32, #tpu.memory_space<vmem>>, vector<1x16xf32>,
        %add3A_815 = arith.constant 5 : i32
        %add3A_816 = vector.broadcast %add3A_815 : i32 to vector<16xi32>
        %add3A_817 = arith.addi %mul3A_1, %add3A_816 : vector<16xi32>
        %lt3A_818 = arith.constant 0 : i32
        %lt3A_819 = vector.broadcast %lt3A_818 : i32 to vector<16xi32>
        %lt3A_820 = arith.cmpi slt, %add3A_817, %lt3A_819 : vector<16xi32>
        %add3A_821 = arith.constant 16 : i32
        %add3A_822 = vector.broadcast %add3A_821 : i32 to vector<16xi32>
        %add3A_823 = arith.addi %add3A_817, %add3A_822 : vector<16xi32>
        %select_n3A_824 = arith.select %lt3A_820, %add3A_823, %add3A_817 : vector<16xi1>, vector<16xi32>
        %broadcast_in_dim3A_825 = vector.shape_cast %select_n3A_824 : vector<16xi32> to vector<16x1xi32>
        %gather3A_826 = vector.shape_cast %broadcast_in_dim3A_825 : vector<16x1xi32> to vector<16xi32>
        %gather3A_827 = tpu.dynamic_gather %select_n3A_695[%gather3A_826] in [0] : vector<16xf32>, vector<16xi32> -> vector<16xf32>
        %get3A_828 = arith.index_cast %scan3A_94 : i32 to index
        %get3A_829 = arith.constant 80 : index
        %get3A_830 = tpu.vector_load %arg14[%get3A_828, %get3A_829] {strides = array<i32>} : memref<40x128xf32, #tpu.memory_space<vmem>>, vector<1x16xf32>,
        %get3A_831 = vector.shape_cast %get3A_830 : vector<1x16xf32> to vector<16xf32>
        %mul3A_832 = arith.mulf %gather3A_827, %get3A_831 : vector<16xf32>
        %swap3A_833 = arith.index_cast %scan3A_94 : i32 to index
        %swap3A_834 = arith.constant 80 : index
        %swap3A_835 = tpu.vector_load %arg13[%swap3A_833, %swap3A_834] {strides = array<i32>} : memref<40x128xf32, #tpu.memory_space<vmem>>, vector<1x16xf32>,
        %swap3A_836 = vector.shape_cast %swap3A_835 : vector<1x16xf32> to vector<16xf32>
        %swap3A_837 = vector.shape_cast %mul3A_832 : vector<16xf32> to vector<1x16xf32>
        tpu.vector_store %arg13[%swap3A_833, %swap3A_834], %swap3A_837 {strides = array<i32>} : memref<40x128xf32, #tpu.memory_space<vmem>>, vector<1x16xf32>,
        %add3A_838 = arith.constant 6 : i32
        %add3A_839 = vector.broadcast %add3A_838 : i32 to vector<16xi32>
        %add3A_840 = arith.addi %mul3A_1, %add3A_839 : vector<16xi32>
        %lt3A_841 = arith.constant 0 : i32
        %lt3A_842 = vector.broadcast %lt3A_841 : i32 to vector<16xi32>
        %lt3A_843 = arith.cmpi slt, %add3A_840, %lt3A_842 : vector<16xi32>
        %add3A_844 = arith.constant 16 : i32
        %add3A_845 = vector.broadcast %add3A_844 : i32 to vector<16xi32>
        %add3A_846 = arith.addi %add3A_840, %add3A_845 : vector<16xi32>
        %select_n3A_847 = arith.select %lt3A_843, %add3A_846, %add3A_840 : vector<16xi1>, vector<16xi32>
        %broadcast_in_dim3A_848 = vector.shape_cast %select_n3A_847 : vector<16xi32> to vector<16x1xi32>
        %gather3A_849 = vector.shape_cast %broadcast_in_dim3A_848 : vector<16x1xi32> to vector<16xi32>
        %gather3A_850 = tpu.dynamic_gather %select_n3A_695[%gather3A_849] in [0] : vector<16xf32>, vector<16xi32> -> vector<16xf32>
        %get3A_851 = arith.index_cast %scan3A_94 : i32 to index
        %get3A_852 = arith.constant 96 : index
        %get3A_853 = tpu.vector_load %arg14[%get3A_851, %get3A_852] {strides = array<i32>} : memref<40x128xf32, #tpu.memory_space<vmem>>, vector<1x16xf32>,
        %get3A_854 = vector.shape_cast %get3A_853 : vector<1x16xf32> to vector<16xf32>
        %mul3A_855 = arith.mulf %gather3A_850, %get3A_854 : vector<16xf32>
        %swap3A_856 = arith.index_cast %scan3A_94 : i32 to index
        %swap3A_857 = arith.constant 96 : index
        %swap3A_858 = tpu.vector_load %arg13[%swap3A_856, %swap3A_857] {strides = array<i32>} : memref<40x128xf32, #tpu.memory_space<vmem>>, vector<1x16xf32>,
        %swap3A_859 = vector.shape_cast %swap3A_858 : vector<1x16xf32> to vector<16xf32>
        %swap3A_860 = vector.shape_cast %mul3A_855 : vector<16xf32> to vector<1x16xf32>
        tpu.vector_store %arg13[%swap3A_856, %swap3A_857], %swap3A_860 {strides = array<i32>} : memref<40x128xf32, #tpu.memory_space<vmem>>, vector<1x16xf32>,
        %add3A_861 = arith.constant 7 : i32
        %add3A_862 = vector.broadcast %add3A_861 : i32 to vector<16xi32>
        %add3A_863 = arith.addi %mul3A_1, %add3A_862 : vector<16xi32>
        %lt3A_864 = arith.constant 0 : i32
        %lt3A_865 = vector.broadcast %lt3A_864 : i32 to vector<16xi32>
        %lt3A_866 = arith.cmpi slt, %add3A_863, %lt3A_865 : vector<16xi32>
        %add3A_867 = arith.constant 16 : i32
        %add3A_868 = vector.broadcast %add3A_867 : i32 to vector<16xi32>
        %add3A_869 = arith.addi %add3A_863, %add3A_868 : vector<16xi32>
        %select_n3A_870 = arith.select %lt3A_866, %add3A_869, %add3A_863 : vector<16xi1>, vector<16xi32>
        %broadcast_in_dim3A_871 = vector.shape_cast %select_n3A_870 : vector<16xi32> to vector<16x1xi32>
        %gather3A_872 = vector.shape_cast %broadcast_in_dim3A_871 : vector<16x1xi32> to vector<16xi32>
        %gather3A_873 = tpu.dynamic_gather %select_n3A_695[%gather3A_872] in [0] : vector<16xf32>, vector<16xi32> -> vector<16xf32>
        %get3A_874 = arith.index_cast %scan3A_94 : i32 to index
        %get3A_875 = arith.constant 112 : index
        %get3A_876 = tpu.vector_load %arg14[%get3A_874, %get3A_875] {strides = array<i32>} : memref<40x128xf32, #tpu.memory_space<vmem>>, vector<1x16xf32>,
        %get3A_877 = vector.shape_cast %get3A_876 : vector<1x16xf32> to vector<16xf32>
        %mul3A_878 = arith.mulf %gather3A_873, %get3A_877 : vector<16xf32>
        %swap3A_879 = arith.index_cast %scan3A_94 : i32 to index
        %swap3A_880 = arith.constant 112 : index
        %swap3A_881 = tpu.vector_load %arg13[%swap3A_879, %swap3A_880] {strides = array<i32>} : memref<40x128xf32, #tpu.memory_space<vmem>>, vector<1x16xf32>,
        %swap3A_882 = vector.shape_cast %swap3A_881 : vector<1x16xf32> to vector<16xf32>
        %swap3A_883 = vector.shape_cast %mul3A_878 : vector<16xf32> to vector<1x16xf32>
        tpu.vector_store %arg13[%swap3A_879, %swap3A_880], %swap3A_883 {strides = array<i32>} : memref<40x128xf32, #tpu.memory_space<vmem>>, vector<1x16xf32>,
        %scan3A_884 = arith.constant 0 : i32
        scf.yield %scan3A_884 : i32
      }
      %scan3A_80 = arith.constant 40 : i32
      %dma_start3A_81 = arith.constant 0 : i32
      %dma_start3A_82 = arith.constant 0 : i32
      %dma_start3A_83 = tpu.memref_slice %arg17[%dma_start3A_81, %dma_start3A_82] : memref<10240x128xf32, #tpu.memory_space<vmem_shared>> -> memref<10240x128xf32, #tpu.memory_space<vmem_shared>>
      tpu.enqueue_indirect_dma source(%arg13 : memref<40x128xf32, #tpu.memory_space<vmem>>) target(%dma_start3A_83 : memref<10240x128xf32, #tpu.memory_space<vmem_shared>>) offsets(%arg11 : memref<40xi32, #tpu.memory_space<vmem>>) semaphore(%arg19 : memref<!tpu.dma_semaphore, #tpu.memory_space<semaphore_mem>>) {add = true}
      %dma_start3A_84 = arith.constant 0 : i32
      %dma_start3A_85 = arith.constant 0 : i32
      %dma_start3A_86 = tpu.memref_slice %arg18[%dma_start3A_84, %dma_start3A_85] : memref<10240x16xf32, #tpu.memory_space<vmem_shared>> -> memref<10240x16xf32, #tpu.memory_space<vmem_shared>>
      tpu.enqueue_indirect_dma source(%arg16 : memref<40x16xf32, #tpu.memory_space<vmem>>) target(%dma_start3A_86 : memref<10240x16xf32, #tpu.memory_space<vmem_shared>>) offsets(%arg11 : memref<40xi32, #tpu.memory_space<vmem>>) semaphore(%arg19 : memref<!tpu.dma_semaphore, #tpu.memory_space<semaphore_mem>>) {add = true}
      %dma_wait3A_87 = arith.constant 0 : i32
      %dma_wait3A_88 = arith.constant 0 : i32
      %dma_wait3A_89 = tpu.memref_slice %arg17[%dma_wait3A_87, %dma_wait3A_88] : memref<10240x128xf32, #tpu.memory_space<vmem_shared>> -> memref<10240x128xf32, #tpu.memory_space<vmem_shared>>
      tpu.wait_indirect_dma semaphore(%arg19 : memref<!tpu.dma_semaphore, #tpu.memory_space<semaphore_mem>>) src(%arg13 : memref<40x128xf32, #tpu.memory_space<vmem>>) dst(%dma_wait3A_89 : memref<10240x128xf32, #tpu.memory_space<vmem_shared>>)
      %dma_wait3A_90 = arith.constant 0 : i32
      %dma_wait3A_91 = arith.constant 0 : i32
      %dma_wait3A_92 = tpu.memref_slice %arg18[%dma_wait3A_90, %dma_wait3A_91] : memref<10240x16xf32, #tpu.memory_space<vmem_shared>> -> memref<10240x16xf32, #tpu.memory_space<vmem_shared>>
      tpu.wait_indirect_dma semaphore(%arg19 : memref<!tpu.dma_semaphore, #tpu.memory_space<semaphore_mem>>) src(%arg16 : memref<40x16xf32, #tpu.memory_space<vmem>>) dst(%dma_wait3A_92 : memref<10240x16xf32, #tpu.memory_space<vmem_shared>>)
      %scan3A_93 = arith.constant 0 : i32
      scf.yield %scan3A_93 : i32
    }
    %scan3A_28 = arith.constant 250 : i32
    %barrier3A_29 = arith.constant 0 : index
    tpu.barrier barrier_id(%barrier3A_29)
    %scan3A_30 = arith.constant 0 : i32
    %scan3A_31 = arith.constant 0 : i32
    %scan3A_32 = arith.constant 16 : i32
    %scan3A_33 = arith.addi %scan3A_31, %scan3A_32 : i32
    %scan3A_34 = arith.constant 1 : i32
    %scan3A_35 = scf.for %scan3A_37 = %scan3A_31 to %scan3A_33 step %scan3A_34 iter_args(%scan3A_38 = %scan3A_30) -> (i32)  : i32 {
      %mul3A_39 = arith.constant 40 : i32
      %mul3A_40 = arith.muli %scan3A_37, %mul3A_39 : i32
      %add3A_41 = arith.addi %mul3A_4, %mul3A_40 : i32
      %dma_start3A = arith.constant 0 : i32
      %dma_start3A_42 = tpu.memref_slice %arg17[%add3A_41, %dma_start3A] : memref<10240x128xf32, #tpu.memory_space<vmem_shared>> -> memref<40x128xf32, #tpu.memory_space<vmem_shared>>
      %dma_start3A_43 = arith.constant 0 : i32
      %dma_start3A_44 = tpu.memref_slice %arg17[%add3A_41, %dma_start3A_43] : memref<10240x128xf32, #tpu.memory_space<vmem_shared>> -> memref<40x128xf32, #tpu.memory_space<vmem_shared>>
      tpu.enqueue_dma source(%dma_start3A_44 : memref<40x128xf32, #tpu.memory_space<vmem_shared>>) target(%arg12 : memref<40x128xf32, #tpu.memory_space<vmem>>) target_semaphore(%arg19 : memref<!tpu.dma_semaphore, #tpu.memory_space<semaphore_mem>>)
      %dma_wait3A = arith.constant 0 : i32
      %dma_wait3A_45 = tpu.memref_slice %arg17[%add3A_41, %dma_wait3A] : memref<10240x128xf32, #tpu.memory_space<vmem_shared>> -> memref<40x128xf32, #tpu.memory_space<vmem_shared>>
      %dma_wait3A_46 = arith.constant 0 : i32
      %dma_wait3A_47 = tpu.memref_slice %arg17[%add3A_41, %dma_wait3A_46] : memref<10240x128xf32, #tpu.memory_space<vmem_shared>> -> memref<40x128xf32, #tpu.memory_space<vmem_shared>>
      tpu.wait_dma2 semaphore(%arg19 : memref<!tpu.dma_semaphore, #tpu.memory_space<semaphore_mem>>) src(%dma_wait3A_47 : memref<40x128xf32, #tpu.memory_space<vmem_shared>>) dst(%arg12 : memref<40x128xf32, #tpu.memory_space<vmem>>)
      %dma_start3A_48 = arith.constant 0 : i32
      %dma_start3A_49 = tpu.memref_slice %arg8[%arg0, %add3A_41, %dma_start3A_48] : memref<2x10240x128xf32, #tpu.memory_space<hbm>> -> memref<1x40x128xf32, #tpu.memory_space<hbm>>
      %dma_start3A_50 = tpu.memref_squeeze %dma_start3A_49 : memref<1x40x128xf32, #tpu.memory_space<hbm>> -> memref<40x128xf32, #tpu.memory_space<hbm>>
      %dma_start3A_51 = arith.constant 0 : i32
      %dma_start3A_52 = tpu.memref_slice %arg8[%arg0, %add3A_41, %dma_start3A_51] : memref<2x10240x128xf32, #tpu.memory_space<hbm>> -> memref<1x40x128xf32, #tpu.memory_space<hbm>>
      %dma_start3A_53 = tpu.memref_squeeze %dma_start3A_52 : memref<1x40x128xf32, #tpu.memory_space<hbm>> -> memref<40x128xf32, #tpu.memory_space<hbm>>
      tpu.enqueue_dma source(%arg12 : memref<40x128xf32, #tpu.memory_space<vmem>>) target(%dma_start3A_53 : memref<40x128xf32, #tpu.memory_space<hbm>>) target_semaphore(%arg19 : memref<!tpu.dma_semaphore, #tpu.memory_space<semaphore_mem>>)
      %dma_wait3A_54 = arith.constant 0 : i32
      %dma_wait3A_55 = tpu.memref_slice %arg8[%arg0, %add3A_41, %dma_wait3A_54] : memref<2x10240x128xf32, #tpu.memory_space<hbm>> -> memref<1x40x128xf32, #tpu.memory_space<hbm>>
      %dma_wait3A_56 = tpu.memref_squeeze %dma_wait3A_55 : memref<1x40x128xf32, #tpu.memory_space<hbm>> -> memref<40x128xf32, #tpu.memory_space<hbm>>
      %dma_wait3A_57 = arith.constant 0 : i32
      %dma_wait3A_58 = tpu.memref_slice %arg8[%arg0, %add3A_41, %dma_wait3A_57] : memref<2x10240x128xf32, #tpu.memory_space<hbm>> -> memref<1x40x128xf32, #tpu.memory_space<hbm>>
      %dma_wait3A_59 = tpu.memref_squeeze %dma_wait3A_58 : memref<1x40x128xf32, #tpu.memory_space<hbm>> -> memref<40x128xf32, #tpu.memory_space<hbm>>
      tpu.wait_dma2 semaphore(%arg19 : memref<!tpu.dma_semaphore, #tpu.memory_space<semaphore_mem>>) src(%arg12 : memref<40x128xf32, #tpu.memory_space<vmem>>) dst(%dma_wait3A_59 : memref<40x128xf32, #tpu.memory_space<hbm>>)
      %dma_start3A_60 = arith.constant 0 : i32
      %dma_start3A_61 = tpu.memref_slice %arg18[%add3A_41, %dma_start3A_60] : memref<10240x16xf32, #tpu.memory_space<vmem_shared>> -> memref<40x16xf32, #tpu.memory_space<vmem_shared>>
      %dma_start3A_62 = arith.constant 0 : i32
      %dma_start3A_63 = tpu.memref_slice %arg18[%add3A_41, %dma_start3A_62] : memref<10240x16xf32, #tpu.memory_space<vmem_shared>> -> memref<40x16xf32, #tpu.memory_space<vmem_shared>>
      tpu.enqueue_dma source(%dma_start3A_63 : memref<40x16xf32, #tpu.memory_space<vmem_shared>>) target(%arg16 : memref<40x16xf32, #tpu.memory_space<vmem>>) target_semaphore(%arg19 : memref<!tpu.dma_semaphore, #tpu.memory_space<semaphore_mem>>)
      %dma_wait3A_64 = arith.constant 0 : i32
      %dma_wait3A_65 = tpu.memref_slice %arg18[%add3A_41, %dma_wait3A_64] : memref<10240x16xf32, #tpu.memory_space<vmem_shared>> -> memref<40x16xf32, #tpu.memory_space<vmem_shared>>
      %dma_wait3A_66 = arith.constant 0 : i32
      %dma_wait3A_67 = tpu.memref_slice %arg18[%add3A_41, %dma_wait3A_66] : memref<10240x16xf32, #tpu.memory_space<vmem_shared>> -> memref<40x16xf32, #tpu.memory_space<vmem_shared>>
      tpu.wait_dma2 semaphore(%arg19 : memref<!tpu.dma_semaphore, #tpu.memory_space<semaphore_mem>>) src(%dma_wait3A_67 : memref<40x16xf32, #tpu.memory_space<vmem_shared>>) dst(%arg16 : memref<40x16xf32, #tpu.memory_space<vmem>>)
      %dma_start3A_68 = arith.constant 0 : i32
      %dma_start3A_69 = tpu.memref_slice %arg9[%arg0, %add3A_41, %dma_start3A_68] : memref<2x10240x16xf32, #tpu.memory_space<hbm>> -> memref<1x40x16xf32, #tpu.memory_space<hbm>>
      %dma_start3A_70 = tpu.memref_squeeze %dma_start3A_69 : memref<1x40x16xf32, #tpu.memory_space<hbm>> -> memref<40x16xf32, #tpu.memory_space<hbm>>
      %dma_start3A_71 = arith.constant 0 : i32
      %dma_start3A_72 = tpu.memref_slice %arg9[%arg0, %add3A_41, %dma_start3A_71] : memref<2x10240x16xf32, #tpu.memory_space<hbm>> -> memref<1x40x16xf32, #tpu.memory_space<hbm>>
      %dma_start3A_73 = tpu.memref_squeeze %dma_start3A_72 : memref<1x40x16xf32, #tpu.memory_space<hbm>> -> memref<40x16xf32, #tpu.memory_space<hbm>>
      tpu.enqueue_dma source(%arg16 : memref<40x16xf32, #tpu.memory_space<vmem>>) target(%dma_start3A_73 : memref<40x16xf32, #tpu.memory_space<hbm>>) target_semaphore(%arg19 : memref<!tpu.dma_semaphore, #tpu.memory_space<semaphore_mem>>)
      %dma_wait3A_74 = arith.constant 0 : i32
      %dma_wait3A_75 = tpu.memref_slice %arg9[%arg0, %add3A_41, %dma_wait3A_74] : memref<2x10240x16xf32, #tpu.memory_space<hbm>> -> memref<1x40x16xf32, #tpu.memory_space<hbm>>
      %dma_wait3A_76 = tpu.memref_squeeze %dma_wait3A_75 : memref<1x40x16xf32, #tpu.memory_space<hbm>> -> memref<40x16xf32, #tpu.memory_space<hbm>>
      %dma_wait3A_77 = arith.constant 0 : i32
      %dma_wait3A_78 = tpu.memref_slice %arg9[%arg0, %add3A_41, %dma_wait3A_77] : memref<2x10240x16xf32, #tpu.memory_space<hbm>> -> memref<1x40x16xf32, #tpu.memory_space<hbm>>
      %dma_wait3A_79 = tpu.memref_squeeze %dma_wait3A_78 : memref<1x40x16xf32, #tpu.memory_space<hbm>> -> memref<40x16xf32, #tpu.memory_space<hbm>>
      tpu.wait_dma2 semaphore(%arg19 : memref<!tpu.dma_semaphore, #tpu.memory_space<semaphore_mem>>) src(%arg16 : memref<40x16xf32, #tpu.memory_space<vmem>>) dst(%dma_wait3A_79 : memref<40x16xf32, #tpu.memory_space<hbm>>)
      %scan3A_80 = arith.constant 0 : i32
      scf.yield %scan3A_80 : i32
    }
    %scan3A_36 = arith.constant 16 : i32
    return
  }
}

module attributes {stable_mosaic.version = 14 : i64} {
  func.func @_ep_body(%arg0: i32, %arg1: memref<8000x128xf32, #tpu.memory_space<vmem>>, %arg2: memref<128x128xf32, #tpu.memory_space<vmem>>, %arg3: memref<1x128xf32, #tpu.memory_space<vmem>>, %arg4: memref<8000x128xf32, #tpu.memory_space<vmem>>) attributes {dimension_semantics = [#tpu.dimension_semantics<arbitrary>], iteration_bounds = array<i64: 40>, scalar_prefetch = 0 : i64, scratch_operands = 0 : i64, tpu.core_type = #tpu.core_type<tc>, window_params = [{transform_indices = @transform_0, window_bounds = array<i64: 8000, 128>}, {pipeline_mode = #tpu.pipeline_mode<synchronous>, transform_indices = @transform_1, window_bounds = array<i64: 128, 128>}, {pipeline_mode = #tpu.pipeline_mode<synchronous>, transform_indices = @transform_2, window_bounds = array<i64: 1, 128>}, {transform_indices = @transform_3, window_bounds = array<i64: 8000, 128>}]} {
    %get3A = arith.constant 0 : index
    %get3A_0 = arith.constant 0 : index
    %get3A_1 = vector.load %arg1[%get3A, %get3A_0] : memref<8000x128xf32, #tpu.memory_space<vmem>>, vector<8000x128xf32>
    %get3A_2 = arith.constant 0 : index
    %get3A_3 = arith.constant 0 : index
    %get3A_4 = vector.load %arg2[%get3A_2, %get3A_3] : memref<128x128xf32, #tpu.memory_space<vmem>>, vector<128x128xf32>
    %dot_general3A = arith.constant dense<0.000000e+00> : vector<8000x128xf32>
    %dot_general3A_5 = tpu.matmul %get3A_1, %get3A_4, %dot_general3A {dimension_numbers = #tpu.dot_dimension_numbers<[1], [0], [0], [1], [0, 0, 1, 1], [], []>, transpose_lhs_hint = false} : vector<8000x128xf32>, vector<128x128xf32>, vector<8000x128xf32> -> vector<8000x128xf32>
    %get3A_6 = arith.constant 0 : index
    %get3A_7 = arith.constant 0 : index
    %get3A_8 = vector.load %arg3[%get3A_6, %get3A_7] : memref<1x128xf32, #tpu.memory_space<vmem>>, vector<1x128xf32>
    %add3A = vector.broadcast %get3A_8 : vector<1x128xf32> to vector<8000x128xf32>
    %add3A_9 = arith.addf %dot_general3A_5, %add3A : vector<8000x128xf32>
    %swap3A = arith.constant 0 : index
    %swap3A_10 = arith.constant 0 : index
    %swap3A_11 = vector.load %arg4[%swap3A, %swap3A_10] : memref<8000x128xf32, #tpu.memory_space<vmem>>, vector<8000x128xf32>
    tpu.vector_store %arg4[%swap3A, %swap3A_10], %add3A_9 {strides = array<i32>} : memref<8000x128xf32, #tpu.memory_space<vmem>>, vector<8000x128xf32>,
    return
  }
  func.func @transform_0(%arg0: i32) -> (i32, i32) {
    %c0_i32 = arith.constant 0 : i32
    %c0_i32_0 = arith.constant 0 : i32
    return %arg0, %c0_i32 : i32, i32
  }
  func.func @transform_1(%arg0: i32) -> (i32, i32) {
    %c0_i32 = arith.constant 0 : i32
    %c0_i32_0 = arith.constant 0 : i32
    %c0_i32_1 = arith.constant 0 : i32
    return %c0_i32, %c0_i32_0 : i32, i32
  }
  func.func @transform_2(%arg0: i32) -> (i32, i32) {
    %c0_i32 = arith.constant 0 : i32
    %c0_i32_0 = arith.constant 0 : i32
    %c0_i32_1 = arith.constant 0 : i32
    return %c0_i32, %c0_i32_0 : i32, i32
  }
  func.func @transform_3(%arg0: i32) -> (i32, i32) {
    %c0_i32 = arith.constant 0 : i32
    %c0_i32_0 = arith.constant 0 : i32
    return %arg0, %c0_i32 : i32, i32
  }
}

module attributes {stable_mosaic.version = 14 : i64} {
  func.func @_qkv_body(%arg0: i32, %arg1: memref<2000x128xf32, #tpu.memory_space<vmem>>, %arg2: memref<128x128xf32, #tpu.memory_space<vmem>>, %arg3: memref<1x128xf32, #tpu.memory_space<vmem>>, %arg4: memref<128x128xf32, #tpu.memory_space<vmem>>, %arg5: memref<1x128xf32, #tpu.memory_space<vmem>>, %arg6: memref<128x128xf32, #tpu.memory_space<vmem>>, %arg7: memref<1x128xf32, #tpu.memory_space<vmem>>, %arg8: memref<2000x128xf32, #tpu.memory_space<vmem>>, %arg9: memref<2000x128xf32, #tpu.memory_space<vmem>>, %arg10: memref<2000x128xf32, #tpu.memory_space<vmem>>) attributes {dimension_semantics = [#tpu.dimension_semantics<arbitrary>], iteration_bounds = array<i64: 5>, scalar_prefetch = 0 : i64, scratch_operands = 0 : i64, tpu.core_type = #tpu.core_type<tc>, window_params = [{transform_indices = @transform_0, window_bounds = array<i64: 2000, 128>}, {pipeline_mode = #tpu.pipeline_mode<synchronous>, transform_indices = @transform_1, window_bounds = array<i64: 128, 128>}, {pipeline_mode = #tpu.pipeline_mode<synchronous>, transform_indices = @transform_2, window_bounds = array<i64: 1, 128>}, {pipeline_mode = #tpu.pipeline_mode<synchronous>, transform_indices = @transform_3, window_bounds = array<i64: 128, 128>}, {pipeline_mode = #tpu.pipeline_mode<synchronous>, transform_indices = @transform_4, window_bounds = array<i64: 1, 128>}, {pipeline_mode = #tpu.pipeline_mode<synchronous>, transform_indices = @transform_5, window_bounds = array<i64: 128, 128>}, {pipeline_mode = #tpu.pipeline_mode<synchronous>, transform_indices = @transform_6, window_bounds = array<i64: 1, 128>}, {transform_indices = @transform_7, window_bounds = array<i64: 2000, 128>}, {transform_indices = @transform_8, window_bounds = array<i64: 2000, 128>}, {transform_indices = @transform_9, window_bounds = array<i64: 2000, 128>}]} {
    %get3A = arith.constant 0 : index
    %get3A_0 = arith.constant 0 : index
    %get3A_1 = vector.load %arg1[%get3A, %get3A_0] : memref<2000x128xf32, #tpu.memory_space<vmem>>, vector<2000x128xf32>
    %get3A_2 = arith.constant 0 : index
    %get3A_3 = arith.constant 0 : index
    %get3A_4 = vector.load %arg2[%get3A_2, %get3A_3] : memref<128x128xf32, #tpu.memory_space<vmem>>, vector<128x128xf32>
    %dot_general3A = arith.constant dense<0.000000e+00> : vector<2000x128xf32>
    %dot_general3A_5 = tpu.matmul %get3A_1, %get3A_4, %dot_general3A {dimension_numbers = #tpu.dot_dimension_numbers<[1], [0], [0], [1], [0, 0, 1, 1], [], []>, transpose_lhs_hint = false} : vector<2000x128xf32>, vector<128x128xf32>, vector<2000x128xf32> -> vector<2000x128xf32>
    %get3A_6 = arith.constant 0 : index
    %get3A_7 = arith.constant 0 : index
    %get3A_8 = vector.load %arg3[%get3A_6, %get3A_7] : memref<1x128xf32, #tpu.memory_space<vmem>>, vector<1x128xf32>
    %add3A = vector.broadcast %get3A_8 : vector<1x128xf32> to vector<2000x128xf32>
    %add3A_9 = arith.addf %dot_general3A_5, %add3A : vector<2000x128xf32>
    %swap3A = arith.constant 0 : index
    %swap3A_10 = arith.constant 0 : index
    %swap3A_11 = vector.load %arg8[%swap3A, %swap3A_10] : memref<2000x128xf32, #tpu.memory_space<vmem>>, vector<2000x128xf32>
    tpu.vector_store %arg8[%swap3A, %swap3A_10], %add3A_9 {strides = array<i32>} : memref<2000x128xf32, #tpu.memory_space<vmem>>, vector<2000x128xf32>,
    %get3A_12 = arith.constant 0 : index
    %get3A_13 = arith.constant 0 : index
    %get3A_14 = vector.load %arg4[%get3A_12, %get3A_13] : memref<128x128xf32, #tpu.memory_space<vmem>>, vector<128x128xf32>
    %dot_general3A_15 = arith.constant dense<0.000000e+00> : vector<2000x128xf32>
    %dot_general3A_16 = tpu.matmul %get3A_1, %get3A_14, %dot_general3A_15 {dimension_numbers = #tpu.dot_dimension_numbers<[1], [0], [0], [1], [0, 0, 1, 1], [], []>, transpose_lhs_hint = false} : vector<2000x128xf32>, vector<128x128xf32>, vector<2000x128xf32> -> vector<2000x128xf32>
    %get3A_17 = arith.constant 0 : index
    %get3A_18 = arith.constant 0 : index
    %get3A_19 = vector.load %arg5[%get3A_17, %get3A_18] : memref<1x128xf32, #tpu.memory_space<vmem>>, vector<1x128xf32>
    %add3A_20 = vector.broadcast %get3A_19 : vector<1x128xf32> to vector<2000x128xf32>
    %add3A_21 = arith.addf %dot_general3A_16, %add3A_20 : vector<2000x128xf32>
    %swap3A_22 = arith.constant 0 : index
    %swap3A_23 = arith.constant 0 : index
    %swap3A_24 = vector.load %arg9[%swap3A_22, %swap3A_23] : memref<2000x128xf32, #tpu.memory_space<vmem>>, vector<2000x128xf32>
    tpu.vector_store %arg9[%swap3A_22, %swap3A_23], %add3A_21 {strides = array<i32>} : memref<2000x128xf32, #tpu.memory_space<vmem>>, vector<2000x128xf32>,
    %get3A_25 = arith.constant 0 : index
    %get3A_26 = arith.constant 0 : index
    %get3A_27 = vector.load %arg6[%get3A_25, %get3A_26] : memref<128x128xf32, #tpu.memory_space<vmem>>, vector<128x128xf32>
    %dot_general3A_28 = arith.constant dense<0.000000e+00> : vector<2000x128xf32>
    %dot_general3A_29 = tpu.matmul %get3A_1, %get3A_27, %dot_general3A_28 {dimension_numbers = #tpu.dot_dimension_numbers<[1], [0], [0], [1], [0, 0, 1, 1], [], []>, transpose_lhs_hint = false} : vector<2000x128xf32>, vector<128x128xf32>, vector<2000x128xf32> -> vector<2000x128xf32>
    %get3A_30 = arith.constant 0 : index
    %get3A_31 = arith.constant 0 : index
    %get3A_32 = vector.load %arg7[%get3A_30, %get3A_31] : memref<1x128xf32, #tpu.memory_space<vmem>>, vector<1x128xf32>
    %add3A_33 = vector.broadcast %get3A_32 : vector<1x128xf32> to vector<2000x128xf32>
    %add3A_34 = arith.addf %dot_general3A_29, %add3A_33 : vector<2000x128xf32>
    %swap3A_35 = arith.constant 0 : index
    %swap3A_36 = arith.constant 0 : index
    %swap3A_37 = vector.load %arg10[%swap3A_35, %swap3A_36] : memref<2000x128xf32, #tpu.memory_space<vmem>>, vector<2000x128xf32>
    tpu.vector_store %arg10[%swap3A_35, %swap3A_36], %add3A_34 {strides = array<i32>} : memref<2000x128xf32, #tpu.memory_space<vmem>>, vector<2000x128xf32>,
    return
  }
  func.func @transform_0(%arg0: i32) -> (i32, i32) {
    %c0_i32 = arith.constant 0 : i32
    %c0_i32_0 = arith.constant 0 : i32
    return %arg0, %c0_i32 : i32, i32
  }
  func.func @transform_1(%arg0: i32) -> (i32, i32) {
    %c0_i32 = arith.constant 0 : i32
    %c0_i32_0 = arith.constant 0 : i32
    %c0_i32_1 = arith.constant 0 : i32
    return %c0_i32, %c0_i32_0 : i32, i32
  }
  func.func @transform_2(%arg0: i32) -> (i32, i32) {
    %c0_i32 = arith.constant 0 : i32
    %c0_i32_0 = arith.constant 0 : i32
    %c0_i32_1 = arith.constant 0 : i32
    return %c0_i32, %c0_i32_0 : i32, i32
  }
  func.func @transform_3(%arg0: i32) -> (i32, i32) {
    %c0_i32 = arith.constant 0 : i32
    %c0_i32_0 = arith.constant 0 : i32
    %c0_i32_1 = arith.constant 0 : i32
    return %c0_i32, %c0_i32_0 : i32, i32
  }
  func.func @transform_4(%arg0: i32) -> (i32, i32) {
    %c0_i32 = arith.constant 0 : i32
    %c0_i32_0 = arith.constant 0 : i32
    %c0_i32_1 = arith.constant 0 : i32
    return %c0_i32, %c0_i32_0 : i32, i32
  }
  func.func @transform_5(%arg0: i32) -> (i32, i32) {
    %c0_i32 = arith.constant 0 : i32
    %c0_i32_0 = arith.constant 0 : i32
    %c0_i32_1 = arith.constant 0 : i32
    return %c0_i32, %c0_i32_0 : i32, i32
  }
  func.func @transform_6(%arg0: i32) -> (i32, i32) {
    %c0_i32 = arith.constant 0 : i32
    %c0_i32_0 = arith.constant 0 : i32
    %c0_i32_1 = arith.constant 0 : i32
    return %c0_i32, %c0_i32_0 : i32, i32
  }
  func.func @transform_7(%arg0: i32) -> (i32, i32) {
    %c0_i32 = arith.constant 0 : i32
    %c0_i32_0 = arith.constant 0 : i32
    return %arg0, %c0_i32 : i32, i32
  }
  func.func @transform_8(%arg0: i32) -> (i32, i32) {
    %c0_i32 = arith.constant 0 : i32
    %c0_i32_0 = arith.constant 0 : i32
    return %arg0, %c0_i32 : i32, i32
  }
  func.func @transform_9(%arg0: i32) -> (i32, i32) {
    %c0_i32 = arith.constant 0 : i32
    %c0_i32_0 = arith.constant 0 : i32
    return %arg0, %c0_i32 : i32, i32
  }
}

module attributes {stable_mosaic.version = 14 : i64} {
  func.func @_fin_body(%arg0: i32, %arg1: memref<2x2000x128xf32, #tpu.memory_space<vmem>>, %arg2: memref<2x2000x16xf32, #tpu.memory_space<vmem>>, %arg3: memref<2000x128xf32, #tpu.memory_space<vmem>>, %arg4: memref<128x128xf32, #tpu.memory_space<vmem>>, %arg5: memref<1x128xf32, #tpu.memory_space<vmem>>, %arg6: memref<1x128xf32, #tpu.memory_space<vmem>>, %arg7: memref<1x128xf32, #tpu.memory_space<vmem>>, %arg8: memref<2000x128xf32, #tpu.memory_space<vmem>>) attributes {dimension_semantics = [#tpu.dimension_semantics<arbitrary>], iteration_bounds = array<i64: 5>, scalar_prefetch = 0 : i64, scratch_operands = 0 : i64, tpu.core_type = #tpu.core_type<tc>, window_params = [{transform_indices = @transform_0, window_bounds = array<i64: 2, 2000, 128>}, {transform_indices = @transform_1, window_bounds = array<i64: 2, 2000, 16>}, {transform_indices = @transform_2, window_bounds = array<i64: 2000, 128>}, {pipeline_mode = #tpu.pipeline_mode<synchronous>, transform_indices = @transform_3, window_bounds = array<i64: 128, 128>}, {pipeline_mode = #tpu.pipeline_mode<synchronous>, transform_indices = @transform_4, window_bounds = array<i64: 1, 128>}, {pipeline_mode = #tpu.pipeline_mode<synchronous>, transform_indices = @transform_5, window_bounds = array<i64: 1, 128>}, {pipeline_mode = #tpu.pipeline_mode<synchronous>, transform_indices = @transform_6, window_bounds = array<i64: 1, 128>}, {transform_indices = @transform_7, window_bounds = array<i64: 2000, 128>}]} {
    %get3A = arith.constant 0 : index
    %get3A_0 = arith.constant 0 : index
    %get3A_1 = arith.constant 0 : index
    %get3A_2 = vector.load %arg2[%get3A, %get3A_0, %get3A_1] : memref<2x2000x16xf32, #tpu.memory_space<vmem>>, vector<1x2000x16xf32>
    %get3A_3 = vector.shape_cast %get3A_2 : vector<1x2000x16xf32> to vector<2000x16xf32>
    %get3A_4 = arith.constant 1 : index
    %get3A_5 = arith.constant 0 : index
    %get3A_6 = arith.constant 0 : index
    %get3A_7 = vector.load %arg2[%get3A_4, %get3A_5, %get3A_6] : memref<2x2000x16xf32, #tpu.memory_space<vmem>>, vector<1x2000x16xf32>
    %get3A_8 = vector.shape_cast %get3A_7 : vector<1x2000x16xf32> to vector<2000x16xf32>
    %add3A = arith.addf %get3A_3, %get3A_8 : vector<2000x16xf32>
    %get3A_9 = arith.constant 0 : index
    %get3A_10 = arith.constant 0 : index
    %get3A_11 = arith.constant 0 : index
    %get3A_12 = vector.load %arg1[%get3A_9, %get3A_10, %get3A_11] : memref<2x2000x128xf32, #tpu.memory_space<vmem>>, vector<1x2000x128xf32>
    %get3A_13 = vector.shape_cast %get3A_12 : vector<1x2000x128xf32> to vector<2000x128xf32>
    %get3A_14 = arith.constant 1 : index
    %get3A_15 = arith.constant 0 : index
    %get3A_16 = arith.constant 0 : index
    %get3A_17 = vector.load %arg1[%get3A_14, %get3A_15, %get3A_16] : memref<2x2000x128xf32, #tpu.memory_space<vmem>>, vector<1x2000x128xf32>
    %get3A_18 = vector.shape_cast %get3A_17 : vector<1x2000x128xf32> to vector<2000x128xf32>
    %add3A_19 = arith.addf %get3A_13, %get3A_18 : vector<2000x128xf32>
    %iota3A = tpu.iota {dimensions = array<i32: 0>} : vector<16x128xi32>
    %iota3A_20 = tpu.iota {dimensions = array<i32: 1>} : vector<16x128xi32>
    %jit3A = arith.constant 16 : i32
    %div3A = vector.broadcast %jit3A : i32 to vector<16x128xi32>
    %div3A_21 = arith.divsi %iota3A_20, %div3A : vector<16x128xi32>
    %sign3A = arith.constant 0 : i32
    %sign3A_22 = vector.broadcast %sign3A : i32 to vector<16x128xi32>
    %sign3A_23 = arith.cmpi sgt, %iota3A_20, %sign3A_22 : vector<16x128xi32>
    %sign3A_24 = arith.extui %sign3A_23 : vector<16x128xi1> to vector<16x128xi32>
    %sign3A_25 = arith.constant 0 : i32
    %sign3A_26 = vector.broadcast %sign3A_25 : i32 to vector<16x128xi32>
    %sign3A_27 = arith.cmpi slt, %iota3A_20, %sign3A_26 : vector<16x128xi32>
    %sign3A_28 = arith.extui %sign3A_27 : vector<16x128xi1> to vector<16x128xi32>
    %sign3A_29 = arith.subi %sign3A_24, %sign3A_28 : vector<16x128xi32>
    %sign3A_30 = arith.constant 0 : i32
    %sign3A_31 = arith.cmpi sgt, %jit3A, %sign3A_30 : i32
    %sign3A_32 = arith.extui %sign3A_31 : i1 to i32
    %sign3A_33 = arith.constant 0 : i32
    %sign3A_34 = arith.cmpi slt, %jit3A, %sign3A_33 : i32
    %sign3A_35 = arith.extui %sign3A_34 : i1 to i32
    %sign3A_36 = arith.subi %sign3A_32, %sign3A_35 : i32
    %ne3A = vector.broadcast %sign3A_36 : i32 to vector<16x128xi32>
    %ne3A_37 = arith.cmpi ne, %sign3A_29, %ne3A : vector<16x128xi32>
    %rem3A = vector.broadcast %jit3A : i32 to vector<16x128xi32>
    %rem3A_38 = arith.remsi %iota3A_20, %rem3A : vector<16x128xi32>
    %ne3A_39 = arith.constant 0 : i32
    %ne3A_40 = vector.broadcast %ne3A_39 : i32 to vector<16x128xi32>
    %ne3A_41 = arith.cmpi ne, %rem3A_38, %ne3A_40 : vector<16x128xi32>
    %and3A = arith.andi %ne3A_37, %ne3A_41 : vector<16x128xi1>
    %sub3A = arith.constant 1 : i32
    %sub3A_42 = vector.broadcast %sub3A : i32 to vector<16x128xi32>
    %sub3A_43 = arith.subi %div3A_21, %sub3A_42 : vector<16x128xi32>
    %select_n3A = arith.select %and3A, %sub3A_43, %div3A_21 : vector<16x128xi1>, vector<16x128xi32>
    %eq3A = arith.cmpi eq, %select_n3A, %iota3A : vector<16x128xi32>
    %convert_element_type3A = arith.extui %eq3A : vector<16x128xi1> to vector<16x128xi32>
    %convert_element_type3A_44 = arith.sitofp %convert_element_type3A : vector<16x128xi32> to vector<16x128xf32>
    %dot_general3A = arith.constant dense<0.000000e+00> : vector<2000x128xf32>
    %dot_general3A_45 = tpu.matmul %add3A, %convert_element_type3A_44, %dot_general3A {dimension_numbers = #tpu.dot_dimension_numbers<[1], [0], [0], [1], [0, 0, 1, 1], [], []>, transpose_lhs_hint = false} : vector<2000x16xf32>, vector<16x128xf32>, vector<2000x128xf32> -> vector<2000x128xf32>
    %add3A_46 = arith.constant 1.000000e-16 : f32
    %add3A_47 = vector.broadcast %add3A_46 : f32 to vector<2000x128xf32>
    %add3A_48 = arith.addf %dot_general3A_45, %add3A_47 : vector<2000x128xf32>
    %div3A_49 = arith.divf %add3A_19, %add3A_48 : vector<2000x128xf32>
    %get3A_50 = arith.constant 0 : index
    %get3A_51 = arith.constant 0 : index
    %get3A_52 = vector.load %arg4[%get3A_50, %get3A_51] : memref<128x128xf32, #tpu.memory_space<vmem>>, vector<128x128xf32>
    %dot_general3A_53 = arith.constant dense<0.000000e+00> : vector<2000x128xf32>
    %dot_general3A_54 = tpu.matmul %div3A_49, %get3A_52, %dot_general3A_53 {dimension_numbers = #tpu.dot_dimension_numbers<[1], [0], [0], [1], [0, 0, 1, 1], [], []>, transpose_lhs_hint = false} : vector<2000x128xf32>, vector<128x128xf32>, vector<2000x128xf32> -> vector<2000x128xf32>
    %get3A_55 = arith.constant 0 : index
    %get3A_56 = arith.constant 0 : index
    %get3A_57 = vector.load %arg5[%get3A_55, %get3A_56] : memref<1x128xf32, #tpu.memory_space<vmem>>, vector<1x128xf32>
    %add3A_58 = vector.broadcast %get3A_57 : vector<1x128xf32> to vector<2000x128xf32>
    %add3A_59 = arith.addf %dot_general3A_54, %add3A_58 : vector<2000x128xf32>
    %get3A_60 = arith.constant 0 : index
    %get3A_61 = arith.constant 0 : index
    %get3A_62 = vector.load %arg3[%get3A_60, %get3A_61] : memref<2000x128xf32, #tpu.memory_space<vmem>>, vector<2000x128xf32>
    %add3A_63 = arith.addf %add3A_59, %get3A_62 : vector<2000x128xf32>
    %reduce_sum3A = arith.constant dense<0.000000e+00> : vector<2000xf32>
    %reduce_sum3A_64 = vector.multi_reduction <add>, %add3A_63, %reduce_sum3A [1] : vector<2000x128xf32> to vector<2000xf32>
    %broadcast_in_dim3A = vector.shape_cast %reduce_sum3A_64 : vector<2000xf32> to vector<2000x1xf32>
    %div3A_65 = arith.constant 1.280000e+02 : f32
    %div3A_66 = vector.broadcast %div3A_65 : f32 to vector<2000x1xf32>
    %div3A_67 = arith.divf %broadcast_in_dim3A, %div3A_66 : vector<2000x1xf32>
    %sub3A_68 = vector.broadcast %div3A_67 : vector<2000x1xf32> to vector<2000x128xf32>
    %sub3A_69 = arith.subf %add3A_63, %sub3A_68 : vector<2000x128xf32>
    %mul3A = arith.mulf %sub3A_69, %sub3A_69 : vector<2000x128xf32>
    %reduce_sum3A_70 = arith.constant dense<0.000000e+00> : vector<2000xf32>
    %reduce_sum3A_71 = vector.multi_reduction <add>, %mul3A, %reduce_sum3A_70 [1] : vector<2000x128xf32> to vector<2000xf32>
    %broadcast_in_dim3A_72 = vector.shape_cast %reduce_sum3A_71 : vector<2000xf32> to vector<2000x1xf32>
    %div3A_73 = arith.constant 1.280000e+02 : f32
    %div3A_74 = vector.broadcast %div3A_73 : f32 to vector<2000x1xf32>
    %div3A_75 = arith.divf %broadcast_in_dim3A_72, %div3A_74 : vector<2000x1xf32>
    %add3A_76 = arith.constant 9.99999974E-6 : f32
    %add3A_77 = vector.broadcast %add3A_76 : f32 to vector<2000x1xf32>
    %add3A_78 = arith.addf %div3A_75, %add3A_77 : vector<2000x1xf32>
    %rsqrt3A = math.rsqrt %add3A_78 : vector<2000x1xf32>
    %mul3A_79 = vector.broadcast %rsqrt3A : vector<2000x1xf32> to vector<2000x128xf32>
    %mul3A_80 = arith.mulf %sub3A_69, %mul3A_79 : vector<2000x128xf32>
    %get3A_81 = arith.constant 0 : index
    %get3A_82 = arith.constant 0 : index
    %get3A_83 = vector.load %arg6[%get3A_81, %get3A_82] : memref<1x128xf32, #tpu.memory_space<vmem>>, vector<1x128xf32>
    %mul3A_84 = vector.broadcast %get3A_83 : vector<1x128xf32> to vector<2000x128xf32>
    %mul3A_85 = arith.mulf %mul3A_80, %mul3A_84 : vector<2000x128xf32>
    %get3A_86 = arith.constant 0 : index
    %get3A_87 = arith.constant 0 : index
    %get3A_88 = vector.load %arg7[%get3A_86, %get3A_87] : memref<1x128xf32, #tpu.memory_space<vmem>>, vector<1x128xf32>
    %add3A_89 = vector.broadcast %get3A_88 : vector<1x128xf32> to vector<2000x128xf32>
    %add3A_90 = arith.addf %mul3A_85, %add3A_89 : vector<2000x128xf32>
    %swap3A = arith.constant 0 : index
    %swap3A_91 = arith.constant 0 : index
    %swap3A_92 = vector.load %arg8[%swap3A, %swap3A_91] : memref<2000x128xf32, #tpu.memory_space<vmem>>, vector<2000x128xf32>
    tpu.vector_store %arg8[%swap3A, %swap3A_91], %add3A_90 {strides = array<i32>} : memref<2000x128xf32, #tpu.memory_space<vmem>>, vector<2000x128xf32>,
    return
  }
  func.func @transform_0(%arg0: i32) -> (i32, i32, i32) {
    %c0_i32 = arith.constant 0 : i32
    %c0_i32_0 = arith.constant 0 : i32
    %c0_i32_1 = arith.constant 0 : i32
    return %c0_i32, %arg0, %c0_i32_0 : i32, i32, i32
  }
  func.func @transform_1(%arg0: i32) -> (i32, i32, i32) {
    %c0_i32 = arith.constant 0 : i32
    %c0_i32_0 = arith.constant 0 : i32
    %c0_i32_1 = arith.constant 0 : i32
    return %c0_i32, %arg0, %c0_i32_0 : i32, i32, i32
  }
  func.func @transform_2(%arg0: i32) -> (i32, i32) {
    %c0_i32 = arith.constant 0 : i32
    %c0_i32_0 = arith.constant 0 : i32
    return %arg0, %c0_i32 : i32, i32
  }
  func.func @transform_3(%arg0: i32) -> (i32, i32) {
    %c0_i32 = arith.constant 0 : i32
    %c0_i32_0 = arith.constant 0 : i32
    %c0_i32_1 = arith.constant 0 : i32
    return %c0_i32, %c0_i32_0 : i32, i32
  }
  func.func @transform_4(%arg0: i32) -> (i32, i32) {
    %c0_i32 = arith.constant 0 : i32
    %c0_i32_0 = arith.constant 0 : i32
    %c0_i32_1 = arith.constant 0 : i32
    return %c0_i32, %c0_i32_0 : i32, i32
  }
  func.func @transform_5(%arg0: i32) -> (i32, i32) {
    %c0_i32 = arith.constant 0 : i32
    %c0_i32_0 = arith.constant 0 : i32
    %c0_i32_1 = arith.constant 0 : i32
    return %c0_i32, %c0_i32_0 : i32, i32
  }
  func.func @transform_6(%arg0: i32) -> (i32, i32) {
    %c0_i32 = arith.constant 0 : i32
    %c0_i32_0 = arith.constant 0 : i32
    %c0_i32_1 = arith.constant 0 : i32
    return %c0_i32, %c0_i32_0 : i32, i32
  }
  func.func @transform_7(%arg0: i32) -> (i32, i32) {
    %c0_i32 = arith.constant 0 : i32
    %c0_i32_0 = arith.constant 0 : i32
    return %arg0, %c0_i32 : i32, i32
  }
}

</mosaic_0001>

<sc_bundles>
// kernel: kernel.6.cloned.1.call-start
scs
__scs_entry_jumppad:
0x0: {  	(pc) =	sbr.rel $0x88, $3  }
0x1: {  	(tag) =	ssettag $0x0;
	lr =	simm.s32 $0x1  }
0x2: {  	[smem:$0x3F92] =	sst lr;
	_ =	strace $0xD0000000  }
0x3: {  	_ = 	snop  }
0x4: {  	_ = 	snop  }
0x5: {  	_ = 	snop  }
0x6: {  	_ = 	snop  }
0x7: {  	_ = 	snop  }
__scs_overlays_trampoline_lowered:
0x8: {  	[smem:$0x3FA1] =	sst s0  }
0x9: {  	[smem:$0x3FA2] =	sst s1  }
0xa: {  	[smem:$0x3FA3] =	sst s2  }
0xb: {  	[smem:$0x3FA4] =	sst s3  }
0xc: {  	[smem:$0x3FA5] =	sst s4  }
0xd: {  	[smem:$0x3FA6] =	sst s5  }
0xe: {  	[smem:$0x3FA7] =	sst s6  }
0xf: {  	[smem:$0x3FA8] =	sst s7  }
0x10: {  	[smem:$0x3FA9] =	sst s8  }
0x11: {  	[smem:$0x3FAA] =	sst s9;
	s0 =	simm.s32 @!p0 $0x0  }
0x12: {  	s1 =	sld [smem:$0x3F90];
	s0 =	simm.s32 @p0 $0x1  }
0x13: {  	[smem:$0x3FAB] =	sst s0;
	s0 =	simm.s32 @!p1 $0x0  }
0x14: {  	s2 =	sld [smem:$0x3F8F];
	s0 =	simm.s32 @p1 $0x1  }
0x15: {  	[smem:$0x3FAC] =	sst s0;
	s0 =	simm.s32 @!p2 $0x0  }
0x16: {  	s3 =	sld [smem:$0x3FDB];
	s0 =	simm.s32 @p2 $0x1  }
0x17: {  	s4 =	simm.s32 $0x1BF5;
	[smem:$0x3FAE] =	sst s0  }
0x18: {  	s0 =	sld [smem:$0x3F91];
	_ =	swait.ge [sflag:s4], $0x0  }
0x19: {  	s7 =	sld [smem:$0x3F92]  }
0x1a: {  	s8 =	sadd.s32 $0xFFFFE003, lr  }
0x1b: {  	s9 =	sadd.s32 $0xFFFFFEF7, lr;
	s5 =	simm.s32 $0xFFFFFFFF;
	p2 =	slt.u32 s8, $0xFFFFF086  }
0x1c: {  	p1 =	slt.u32 s9, $0xF7A;
	s5 =	simm.s32 @!p2 $0x0  }
0x1d: {  	s5 =	simm.s32 @p1 $0x1;
	p0 =	seq.s32 s7, s2  }
0x1e: {  	s7 =	smul.u32 @!p0 $0xF7A, s2;
	p2 =	seq.s32 @!p0 s5, $0x0  }
0x1f: {  	s9 =	smul.u32 $0xF7A, s1;
	s8 =	simm.s32 @!p0 $0x1BF5;
	p2 =	por !p2, p0  }
0x20: {  	[sflag:s8] =	ssyncset.s32 @!p0 $0xFFFFF086;
	s6 =	sadd.s32 @!p0 s3, s7;
	s7 =	simm.s32 @!p0 $0x108  }
0x21: {  	s3 =	sadd.s32 s3, s9;
	s6 =	sadd.s32 @!p0 $0x88, s6;
	s7 =	simm.s32 @p2 $0x1082  }
0x22: {  	[simem:s7], [sflag:s8] =	dma.local @!p0 [hbm:s6], $0xF7A  }
0x23: {  	s9 =	sor.u32 $0xD0000000, s2;
	s6 =	simm.s32 $0x108;
	_ =	swait.ge @!p0 [sflag:s8], $0x0  }
0x24: {  	s3 =	sadd.s32 $0x88, s3;
	s6 =	simm.s32 @!p1 $0x1082;
	[sflag:s4] =	ssyncset.s32 $0xFFFFF086  }
0x25: {  	[simem:s6], [sflag:s4] =	dma.local [hbm:s3], $0xF7A  }
0x26: {  	[smem:$0x3F92] =	sst s1;
	(tag) =	ssettag s2;
	_ =	strace s9  }
0x27: {  	s1 =	sld [smem:$0x3FA2]  }
0x28: {  	s2 =	sld [smem:$0x3FA3]  }
0x29: {  	s4 =	sld [smem:$0x3FA5]  }
0x2a: {  	p0 =	seq.s32 s5, $0x0;
	s5 =	sld [smem:$0x3FA6]  }
0x2b: {  	s6 =	sld [smem:$0x3FA7]  }
0x2c: {  	s7 =	sld [smem:$0x3FA8]  }
0x2d: {  	s3 =	simm.s32 $0x108;
	s8 =	sld [smem:$0x3FA9]  }
0x2e: {  	s3 =	simm.s32 @!p0 $0x1082;
	s9 =	sld [smem:$0x3FAA]  }
0x2f: {  	lr =	sadd.s32 s0, s3;
	s0 =	sld [smem:$0x3FA1]  }
0x30: {  	s3 =	sld [smem:$0x3FA4]  }
0x31: {  	[smem:$0x3FAD] =	sst s10  }
0x32: {  	s10 =	sld [smem:$0x3FAB];
	_ =	sdelay $0x3  }
0x33: {  	p0 =	seq.s32 s10, $0x1;
	s10 =	sld [smem:$0x3FAD];
	_ =	sdelay $0x3  }
0x34: {  	[smem:$0x3FAD] =	sst s10  }
0x35: {  	s10 =	sld [smem:$0x3FAC];
	_ =	sdelay $0x3  }
0x36: {  	p1 =	seq.s32 s10, $0x1;
	s10 =	sld [smem:$0x3FAD];
	_ =	sdelay $0x3  }
0x37: {  	[smem:$0x3FAD] =	sst s10  }
0x38: {  	s10 =	sld [smem:$0x3FAE]  }
0x39: {  	_ = 	snop;
	(pc) =	sbr.ind lr, $3  }
0x3a: {  	_ = 	snop  }
0x3b: {  	_ = 	snop  }
0x3c: {  	p2 =	seq.s32 s10, $0x1;
	s10 =	sld [smem:$0x3FAD]  }
0x3d: {  	_ =	shalt  }
0x3e: {  	_ =	shalt  }
0x3f: {  	_ =	shalt  }
0x40: {  	_ =	shalt  }
0x41: {  	_ =	shalt  }
0x42: {  	_ =	shalt  }
0x43: {  	_ =	shalt  }
0x44: {  	_ =	shalt  }
0x45: {  	_ =	shalt  }
0x46: {  	_ =	shalt  }
0x47: {  	_ =	shalt  }
0x48: {  	_ =	shalt  }
0x49: {  	_ =	shalt  }
0x4a: {  	_ =	shalt  }
0x4b: {  	_ =	shalt  }
0x4c: {  	_ =	shalt  }
0x4d: {  	_ =	shalt  }
0x4e: {  	_ =	shalt  }
0x4f: {  	_ =	shalt  }
0x50: {  	_ =	shalt  }
0x51: {  	_ =	shalt  }
0x52: {  	_ =	shalt  }
0x53: {  	_ =	shalt  }
0x54: {  	_ =	shalt  }
0x55: {  	_ =	shalt  }
0x56: {  	_ =	shalt  }
0x57: {  	_ =	shalt  }
0x58: {  	_ =	shalt  }
0x59: {  	_ =	shalt  }
0x5a: {  	_ =	shalt  }
0x5b: {  	_ =	shalt  }
0x5c: {  	_ =	shalt  }
0x5d: {  	_ =	shalt  }
0x5e: {  	_ =	shalt  }
0x5f: {  	_ =	shalt  }
0x60: {  	_ =	shalt  }
0x61: {  	_ =	shalt  }
0x62: {  	_ =	shalt  }
0x63: {  	_ =	shalt  }
0x64: {  	_ =	shalt  }
0x65: {  	_ =	shalt  }
0x66: {  	_ =	shalt  }
0x67: {  	_ =	shalt  }
0x68: {  	_ =	shalt  }
0x69: {  	_ =	shalt  }
0x6a: {  	_ =	shalt  }
0x6b: {  	_ =	shalt  }
0x6c: {  	_ =	shalt  }
0x6d: {  	_ =	shalt  }
0x6e: {  	_ =	shalt  }
0x6f: {  	_ =	shalt  }
0x70: {  	_ =	shalt  }
0x71: {  	_ =	shalt  }
0x72: {  	_ =	shalt  }
0x73: {  	_ =	shalt  }
0x74: {  	_ =	shalt  }
0x75: {  	_ =	shalt  }
0x76: {  	_ =	shalt  }
0x77: {  	_ =	shalt  }
0x78: {  	_ =	shalt  }
0x79: {  	_ =	shalt  }
0x7a: {  	_ =	shalt  }
0x7b: {  	_ =	shalt  }
0x7c: {  	_ =	shalt  }
0x7d: {  	_ =	shalt  }
0x7e: {  	_ =	shalt  }
0x7f: {  	_ =	shalt  }
0x80: {  	_ =	shalt  }
0x81: {  	_ =	shalt  }
0x82: {  	_ =	shalt  }
0x83: {  	_ =	shalt  }
0x84: {  	_ =	shalt  }
0x85: {  	_ =	shalt  }
0x86: {  	_ =	shalt  }
0x87: {  	_ =	shalt  }
.Lfunc_end0:
.L_simem_size_0:
called_computation_lowered:
.L_overlay_start_0:
0x88: {  	s2 =	sld [smem:$0x3FD9]  }
0x89: {  	s3 =	sld [smem:$0x3FFE];
	_ =	sdelay $0x1  }
0x8a: {  	s1 =	srdreg.scid  }
0x8b: {  	s0 =	sand.u32 $0x1, s1  }
0x8c: {  	s17 =	sshll.u32 s0, $0xA;
	s2 =	sadd.s32 s3, s2  }
0x8d: {  	s2 =	sadd.s32 s2, s17  }
0x8e: {  	[smem:$0x3FB9] =	sst s2  }
0x8f: {  	_ = 	snop  }
0x90: {  	s2 =	sld [smem:$0x3FD0];
	(tm) =	ssettm $0x1  }
0x91: {  	s18 =	sld [smem:$0x3FFB];
	_ =	sdelay $0x3  }
0x92: {  	_ =	strace s18  }
0x93: {  	s3 =	sld [smem:$0x3FFC];
	_ =	sdelay $0x3  }
0x94: {  	_ =	strace s3  }
0x95: {  	s3 =	sld [smem:$0x3FFD];
	_ =	sdelay $0x3  }
0x96: {  	_ =	strace s3  }
0x97: {  	_ =	strace $0x8FFFFFFF  }
0x98: {  	s19 =	sld [smem:$0x3FDB];
	_ =	sdelay $0x1  }
0x99: {  	s4 =	simm.s32 $_scs_section_size  }
0x9a: {  	s5 =	simm.s32 $_size__tile_overlayer_lowered;
	s6 =	simm.s32 $_tile_overlayer_lowered  }
0x9b: {  	s22 =	simm.s32 $0x1BFF;
	s21 =	sshll.u32 s6, $0x1;
	s3 =	sadd.s32 s4, s19  }
0x9c: {  	s7 =	simm.s32 $0x0;
	s20 =	sshll.u32 s5, $0x1;
	s5 =	sadd.s32 s21, s3  }
0x9d: {  	[timem:s7], [sflag:s22] =	dma.local [hbm:s5], s20  }
0x9e: {  	_ =	swait.ge [sflag:s22], s20  }
0x9f: {  	s4 =	ssub.s32 $0x0, s20;
	[sflag:s22] =	ssyncset.done $0x0  }
0xa0: {  	[sflag:s22] =	ssyncadd.s32 s4;
	_ =	sdelay $0x1  }
0xa1: {  	s23 =	simm.s32 $0x1B8B  }
0xa2: {  	_ =	swait.ge [sflag:s23], $0x1  }
0xa3: {  	[sflag:s23] =	ssyncset.done $0x0  }
0xa4: {  	s25 =	simm.s32 $0x1B8E;
	s24 =	sld [smem:$0x3FFE];
	[sflag:s23] =	ssyncadd.s32 $0xFFFFFFFF  }
0xa5: {  	s26 =	simm.s32 $execute0_lowered;
	[smem:$0x3FD2] =	sst s25  }
0xa6: {  	s5 =	sshll.u32 s26, $0x1;
	_ =	strace $0x80000046;
	[dreg:$0x1] =	wrdreg $0xFFFFFFFF  }
0xa7: {  	s28 =	simm.s32 $_size_execute0_lowered;
	s3 =	sadd.s32 s3, s5;
	[dreg:$0x0] =	wrdreg $0x0  }
0xa8: {  	s5 =	sshll.u32 s28, $0x1;
	[dreg:$0x2] =	wrdreg s3  }
0xa9: {  	[dreg:$0x3] =	wrdreg s5  }
0xaa: {  	[dreg:$0x4] =	wrdreg $0xC0  }
0xab: {  	_ =	task [dreg:s7], $0x5FFFF  }
0xac: {  	[dreg:$0x1] =	wrdreg $0xFFFFFFFF  }
0xad: {  	[dreg:$0x0] =	wrdreg $0x60  }
0xae: {  	[dreg:$0x2] =	wrdreg s2  }
0xaf: {  	[dreg:$0x3] =	wrdreg s24  }
0xb0: {  	[dreg:$0x4] =	wrdreg $0x52D00  }
0xb1: {  	[dreg:$0x5] =	wrdreg $0x192D00  }
0xb2: {  	[dreg:$0x6] =	wrdreg $0x9  }
0xb3: {  	_ =	task.clear_ibuf [dreg:s7], $0x7FFFF;
	_ =	strace $0x90000046  }
0xb4: {  	s29 =	simm.s32 $0x9;
	_ =	strace $0x80000048  }
0xb5: {  	_ =	swait.ge [sflag:s29], $0x1  }
0xb6: {  	[sflag:s29] =	ssyncadd.s32 $0xFFFFFFFF  }
0xb7: {  	_ =	strace $0x90000048  }
0xb8: {  	_ =	sfence  }
0xb9: {  	s30 =	sld [smem:$0x0];
	_ =	sdelay $0x2  }
0xba: {  	s31 =	sshll.u32 s1, $0xD;
	s1 =	sshrl.u32 s1, $0x2  }
0xbb: {  	s3 =	sand.u32 $0x4000, s31;
	s1 =	sadd.s32 s1, s30  }
0xbc: {  	s0 =	sor.u32 s3, s0;
	s1 =	sshll.u32 s1, $0x11  }
0xbd: {  	s0 =	sor.u32 s1, s0  }
0xbe: {  	s0 =	sadd.s32 $0x8F2B, s0  }
0xbf: {  	[sflag:s0] =	ssyncadd.remote.s32 $0x1  }
0xc0: {  	_ =	sfence.sel $0xFFFF  }
0xc1: {  	[dreg:$0x0] =	wrdreg $0xFFFFFFFF;
	(pc) =	sbr.abs _section_cstart, $3  }
0xc2: {  	[dreg:$0x1] =	wrdreg $0xFFFFFFFF  }
0xc3: {  	_ =	task.clear_ibuf [dreg:s7], $0x2FFFF;
	_ =	strace $0x9FFFFFFF  }
0xc4: {  	(tm) =	ssettm $0x7FFFFFFF  }
0xc5: {  	_ =	shalt  }
tec
execute0_lowered:
.L_overlay_start_1:
0x0: {  	(tag) =	ssettag $0x1  }
0x1: {  	s1 =	rddreg [dreg:$0x0]  }
0x2: {  	s0 =	rddreg [dreg:$0x1];
	v0 =	vimm.s32 $0x76543210;
	v1 =	vimm.s32 $0xFEDCBA98  }
0x3: {  	s2 =	rddreg [dreg:$0x2];
	v2 =	vimm.s32 $0xBA98FEDC;
	v3 =	vimm.s32 $0x32107654;
	v4 =	vimm.s32 $0xDCFE98BA  }
0x4: {  	s3 =	rddreg [dreg:$0x3];
	s4 =	simm.s32 $0x0;
	s5 =	srdreg.scid;
	v5 =	vimm.s32 $0x54761032;
	v6 =	vimm.s32 $0xEFCDAB89;
	v7 =	vimm.s32 $0x67452301  }
0x5: {  	vm0 =	vmmov $0x1;
	vm1 =	vcmask $0x320;
	vm2 =	vcmask $0x720;
	s18 =	simm.s32 $0x1;
	s19 =	simm.s32 $0x5050;
	s20 =	simm.s32 $0x28  }
0x6: {  	vm3 =	vcmask $0xB20;
	vm4 =	vcmask $0xF20;
	vm5 =	vcmask $0x1320;
	s21 =	simm.s32 $0x1450;
	s22 =	simm.s32 $0x2850;
	s11 =	sand.u32 $0x1, s5  }
0x7: {  	vm6 =	vcmask $0x1720;
	vm7 =	vcmask $0x1B20;
	vm8 =	vmmov $0xff;
	s23 =	simm.s32 $0x3C50;
	s5 =	stileid.u32;
	s9 =	smul.u32 $0x140000, s11  }
0x8: {  	v9 =	vimm.s32 $0x4;
	v10 =	vimm.s32 $0x5;
	v11 =	vimm.s32 $0x6;
	s24 =	simm.s32 $0x0;
	s6 =	sadd.s32 $0x4F8800, s0;
	s10 =	smul.u32 $0x14000, s5  }
0x9: {  	v12 =	vimm.s32 $0x7;
	[smem:$0x7FF] =	sst s4;
	v0 =	vunpack.c.l.s4.s8 v0;
	v1 =	vunpack.c.l.s4.s8 v1;
	s7 =	sadd.s32 $0x51FA00, s0;
	s12 =	smul.u32 $0x28000, s11  }
0xa: {  	v2 =	vunpack.c.l.s4.s8 v2;
	v3 =	vunpack.c.l.s4.s8 v3;
	v4 =	vunpack.c.l.s4.s8 v4;
	s8 =	sadd.s32 $0x16800, s0;
	_ =	strace $0x80000047;
	s13 =	smul.u32 $0x2800, s5  }
0xb: {  	v5 =	vunpack.c.l.s4.s8 v5;
	v6 =	vunpack.c.l.s4.s8 v6;
	v7 =	vunpack.c.l.s4.s8 v7;
	s26 =	ssub.s32 $0x2, s11;
	s11 =	sshll.u32 s11, $0x4;
	s28 =	smul.u32 $0xA000, s5  }
0xc: {  	s17 =	smul.u32 $0x50000, s5;
	v2 =	vunpack.c.0.s8.s32 v2;
	v3 =	vunpack.c.0.s8.s32 v3;
	v4 =	vunpack.c.0.s8.s32 v4;
	s15 =	sshrl.u32 s26, $0x1;
	s11 =	sor.u32 s5, s11  }
0xd: {  	v5 =	vunpack.c.0.s8.s32 v5;
	v1 =	vunpack.c.0.s8.s32 v1;
	v6 =	vunpack.c.0.s8.s32 v6;
	s10 =	sadd.s32 s10, s9;
	s9 =	sadd.s32 $0xCA00, s0;
	s12 =	sadd.s32 s13, s12  }
0xe: {  	v7 =	vunpack.c.0.s8.s32 v7;
	v8 =	vunpack.c.0.s8.s32 v0;
	v0 =	vimm.f32 $0.0e+00;
	s29 =	ssub.s32 s26, s15;
	s11 =	smul.u32 $0x2710, s11;
	s30 =	sshrl.u32 s28, $0x2  }
0xf: {  	s31 =	sshrl.u32 s17, $0x2;
	s17 =	simm.s32 $0x50;
	s14 =	sshrl.u32 s10, $0x3;
	v2 =	vcombine.low v3, v2;
	v3 =	vcombine.low v5, v4;
	v1 =	vand.u32 $0xF, v1  }
0x10: {  	s10 =	sadd.s32 $0x2C00, s0;
	s12 =	sshrl.u32 s12, $0x3;
	v4 =	vcombine.low v7, v6;
	s13 =	sadd.s32 s30, s3;
	v5 =	vimm.s32 $0x0;
	v6 =	vimm.s32 $0x1  }
0x11: {  	v7 =	vimm.s32 $0x2;
	s16 =	sadd.s32 s14, s0;
	v1 =	vcombine.low v1, v8;
	s0 =	sadd.s32 s12, s0;
	s12 =	smax.u32 s29, $0x1;
	v8 =	vimm.s32 $0x3  }
0x12: {  	s14 =	sadd.s32 s31, s2;
	v2 =	vand.u32 $0xF, v2;
	v3 =	vand.u32 $0xF, v3;
	v4 =	vand.u32 $0xF, v4;
	s15 =	sadd.s32 $0x546C00, s0;
	s16 =	sadd.s32 $0x550C00, s16  }
.LBB2_1:
0x13: {  	s0 =	simm.s32 $0x90  }
0x14: {  	[tilespmem:s0+$0xFFFFFFD0] =	vst v0  }
0x15: {  	[tilespmem:s0+$0xFFFFFFE0] =	vst v0  }
0x16: {  	[tilespmem:s0+$0xFFFFFFF0] =	vst v0  }
0x17: {  	[tilespmem:s0+$0x0] =	vst v0  }
0x18: {  	[tilespmem:s0+$0x10] =	vst v0  }
0x19: {  	[tilespmem:s0+$0x20] =	vst v0  }
0x1a: {  	[tilespmem:s0+$0x30] =	vst v0  }
0x1b: {  	s26 =	simm.s32 $0x0;
	s25 =	simm.s32 $0x40;
	[tilespmem:s0+$0xFFFFFFC0] =	vst v0  }
.LBB2_2:
0x1c: {  	p0 =	sne.s32 s25, $0x9C0;
	[tilespmem:s26+$0x5050] =	vst v0;
	s0 =	sadd.s32 $0x80, s0  }
0x1d: {  	[tilespmem:s0+$0xFFFFFFD0] =	vst v0  }
0x1e: {  	[tilespmem:s0+$0xFFFFFFE0] =	vst v0  }
0x1f: {  	[tilespmem:s0+$0xFFFFFFF0] =	vst v0  }
.Ltmp0:
0x20: {  	[tilespmem:s0+$0x0] =	vst v0;
	(pc) =	sbr.rel @p0 .LBB2_2-.Ltmp0, $4  }
0x21: {  	[tilespmem:s0+$0x10] =	vst v0  }
0x22: {  	[tilespmem:s0+$0x20] =	vst v0  }
0x23: {  	[tilespmem:s0+$0x30] =	vst v0  }
0x24: {  	s26 =	sshra.s32 s25, $0x2;
	s25 =	sadd.s32 $0x40, s25;
	[tilespmem:s0+$0xFFFFFFC0] =	vst v0  }
0x25: {  	[tilespmem:s26+$0x5050] =	vst v0  }
0x26: {  	[spmem:s14] =	stream.linear.scatter [tilespmem:s17], [sflag:$0x1], $0x1400, $0x38;
	[tilespmem:$0x1BAD0] =	vst v63  }
0x27: {  	_ =	swait.ge [sflag:s18], $0x1400  }
0x28: {  	[sflag:s18] =	ssyncset.done $0x0  }
0x29: {  	s0 =	sadd.s32 $0x0, s13;
	[sflag:s18] =	ssyncadd.s32 $0xFFFFEC00  }
0x2a: {  	[spmem:s0] =	stream.linear.scatter [tilespmem:s19], [sflag:$0x1], $0x280, $0x38;
	[tilespmem:$0x1BAD0] =	vst v63  }
0x2b: {  	_ =	swait.ge [sflag:s18], $0x280  }
0x2c: {  	s25 =	smov.u32 s14;
	s0 =	simm.s32 $0xA00;
	[sflag:s18] =	ssyncset.done $0x0  }
.LBB2_4:
0x2d: {  	p0 =	sne.s32 s0, $0x9600;
	[sflag:s18] =	ssyncadd.s32 $0xFFFFFD80;
	s25 =	sadd.s32 $0x1400, s25  }
0x2e: {  	[spmem:s25] =	stream.linear.scatter [tilespmem:s17], [sflag:$0x1], $0x1400, $0x38;
	[tilespmem:$0x1BAD0] =	vst v63  }
0x2f: {  	s26 =	smov.u32 s0;
	s0 =	sadd.s32 $0xA00, s0;
	_ =	swait.ge [sflag:s18], $0x1400  }
.Ltmp1:
0x30: {  	s26 =	sshra.s32 s26, $0x2;
	[sflag:s18] =	ssyncset.done $0x0;
	(pc) =	sbr.rel @p0 .LBB2_4-.Ltmp1, $4  }
0x31: {  	s26 =	sadd.s32 s26, s13;
	[sflag:s18] =	ssyncadd.s32 $0xFFFFEC00  }
0x32: {  	[spmem:s26] =	stream.linear.scatter [tilespmem:s19], [sflag:$0x1], $0x280, $0x38;
	[tilespmem:$0x1BAD0] =	vst v63  }
0x33: {  	_ =	swait.ge [sflag:s18], $0x280  }
0x34: {  	[sflag:s18] =	ssyncset.done $0x0  }
0x35: {  	[sflag:s18] =	ssyncadd.s32 $0xFFFFFD80  }
0x36: {  	s25 =	simm.s32 $0x0;
	s26 =	simm.s32 $0x0;
	[bflag:$0x0] =	sbarrier.arrive $0xFFFF  }
.LBB2_6:
0x37: {  	s0 =	smul.u32 $0x28, s26;
	_ =	sdelay $0x1  }
0x38: {  	s0 =	sadd.s32 s11, s0  }
0x39: {  	s28 =	sshrl.u32 s0, $0x3  }
0x3a: {  	s29 =	sadd.s32 s9, s28  }
0x3b: {  	[tilespmem:s25], [sflag:$0x1] =	stream.linear.gather [hbm4b:s29+s25], $0x28, $0x38;
	[tilespmem:$0x1BAD0] =	vst v63  }
0x3c: {  	s28 =	sadd.s32 s10, s28  }
0x3d: {  	[tilespmem:s20], [sflag:$0x1] =	stream.linear.gather [hbm4b:s28+s25], $0x28, $0x38;
	[tilespmem:$0x1BAD0] =	vst v63  }
0x3e: {  	_ =	swait.ge [sflag:s18], $0x28  }
0x3f: {  	[sflag:s18] =	ssyncset.done $0x0  }
0x40: {  	[sflag:s18] =	ssyncadd.s32 $0xFFFFFFD8  }
0x41: {  	_ =	swait.ge [sflag:s18], $0x28  }
0x42: {  	[sflag:s18] =	ssyncset.done $0x0  }
0x43: {  	[sflag:s18] =	ssyncadd.s32 $0xFFFFFFD8  }
0x44: {  	[tilespmem:s17], [sflag:$0x1] =	stream.indirect.gather [hbm4b:s1+s20], $0x80, s20, s20, $0xb8;
	[tilespmem:$0x1BAD0] =	vst v63  }
0x45: {  	_ = 	snop  }
0x46: {  	[tilespmem:s21], [sflag:$0x1] =	stream.indirect.gather [hbm4b:s6+s20], $0x80, s25, s20, $0xb8;
	[tilespmem:$0x1BAD0] =	vst v63  }
0x47: {  	s0 =	sshll.u32 s0, $0x4  }
0x48: {  	[tilespmem:s22], [sflag:$0x1] =	stream.indirect.gather [hbm4b:s7+s20], $0x80, s25, s20, $0xb8;
	[tilespmem:$0x1BAD0] =	vst v63  }
0x49: {  	s0 =	sadd.s32 s8, s0  }
0x4a: {  	[tilespmem:s23], [sflag:$0x1] =	stream.linear.gather [hbm4b:s0+s25], $0x1400, $0x38;
	[tilespmem:$0x1BAD0] =	vst v63  }
0x4b: {  	_ =	swait.ge [sflag:s18], $0x1400  }
0x4c: {  	[sflag:s18] =	ssyncset.done $0x0  }
0x4d: {  	[sflag:s18] =	ssyncadd.s32 $0xFFFFEC00  }
0x4e: {  	_ =	swait.ge [sflag:s18], $0x1400  }
0x4f: {  	[sflag:s18] =	ssyncset.done $0x0  }
0x50: {  	[sflag:s18] =	ssyncadd.s32 $0xFFFFEC00  }
0x51: {  	_ =	swait.ge [sflag:s18], $0x1400  }
0x52: {  	[sflag:s18] =	ssyncset.done $0x0  }
0x53: {  	[sflag:s18] =	ssyncadd.s32 $0xFFFFEC00  }
0x54: {  	_ =	swait.ge [sflag:s18], $0x1400  }
0x55: {  	[sflag:s18] =	ssyncset.done $0x0  }
0x56: {  	s28 =	simm.s32 $0x0;
	[sflag:s18] =	ssyncadd.s32 $0xFFFFEC00  }
0x57: {  	v13 =	vld [tilespmem:s28+$0x90]  }
0x58: {  	v14 =	vld [tilespmem:s28+$0x80]  }
0x59: {  	v15 =	vld [tilespmem:s28+$0x1480]  }
0x5a: {  	v16 =	vld [tilespmem:s28+$0x1490]  }
0x5b: {  	v17 =	vld [tilespmem:s28+$0x3C80]  }
0x5c: {  	v18 =	vld [tilespmem:s28+$0x3C90]  }
0x5d: {  	v19 =	vld [tilespmem:s28+$0x50]  }
0x5e: {  	v21 =	vld [tilespmem:s28+$0x1460];
	v14 =	vmul.f32 v15, v14  }
0x5f: {  	v23 =	vld [tilespmem:s28+$0x1450];
	v13 =	vmul.f32 v16, v13  }
0x60: {  	v25 =	vld [tilespmem:s28+$0x3C60];
	v14 =	vmul.f32 v17, v14  }
0x61: {  	v26 =	vld [tilespmem:s28+$0x3C70];
	v13 =	vmul.f32 v18, v13  }
0x62: {  	v17 =	vld [tilespmem:s28+$0x70];
	v20 =	vperm.xlane v14, v1  }
0x63: {  	v18 =	vld [tilespmem:s28+$0x60];
	v22 =	vperm.xlane v13, v1  }
0x64: {  	v14 =	vadd.f32 v20, v14;
	v20 =	vld [tilespmem:s28+$0x1470]  }
0x65: {  	v13 =	vadd.f32 v22, v13;
	v22 =	vld [tilespmem:s28+$0x3C50]  }
0x66: {  	v58 =	vld [tilespmem:s28+$0x14A0];
	v24 =	vperm.xlane v14, v2  }
0x67: {  	v15 =	vld [tilespmem:s28+$0xB0];
	v27 =	vperm.xlane v13, v2  }
0x68: {  	v16 =	vld [tilespmem:s28+$0xA0];
	v19 =	vmul.f32 v23, v19;
	v14 =	vadd.f32 v24, v14  }
0x69: {  	v18 =	vmul.f32 v21, v18;
	v21 =	vld [tilespmem:s28+$0x14B0];
	v13 =	vadd.f32 v27, v13;
	v17 =	vmul.f32 v20, v17  }
0x6a: {  	v61 =	vld [tilespmem:s28+$0x3CB0];
	v19 =	vmul.f32 v22, v19;
	v20 =	vperm.xlane v14, v3  }
0x6b: {  	v18 =	vmul.f32 v25, v18;
	v22 =	vld [tilespmem:s28+$0x3CA0];
	v27 =	vperm.xlane v13, v3  }
0x6c: {  	v23 =	vld [tilespmem:s28+$0x14C0];
	v59 =	vmul.f32 v26, v17;
	v17 =	vperm.xlane v19, v1;
	v14 =	vadd.f32 v20, v14  }
0x6d: {  	v20 =	vld [tilespmem:s28+$0xC0];
	v60 =	vadd.f32 v27, v13;
	v13 =	vmul.f32 v58, v16;
	v16 =	vperm.xlane v18, v1  }
0x6e: {  	v17 =	vadd.f32 v17, v19;
	v19 =	vmul.f32 v21, v15;
	v29 =	vperm.xlane v59, v1  }
0x6f: {  	v21 =	vld [tilespmem:s28+$0x3CC0];
	v62 =	vperm.xlane v14, v4;
	v28 =	vperm.xlane v60, v4;
	v16 =	vadd.f32 v16, v18  }
0x70: {  	v15 =	vmul.f32 v22, v13;
	v18 =	vperm.xlane v17, v2  }
0x71: {  	v19 =	vmul.f32 v61, v19;
	v13 =	vadd.f32 v62, v14;
	v63 =	vperm.xlane v16, v2  }
0x72: {  	v14 =	vadd.f32 v28, v60;
	v20 =	vmul.f32 v23, v20;
	v17 =	vadd.f32 v18, v17  }
0x73: {  	v22 =	vperm.xlane v15, v1;
	v23 =	vperm.xlane v19, v1;
	v16 =	vadd.f32 v63, v16  }
0x74: {  	s30 =	simm.s32 $0x5050;
	s31 =	simm.s32 $0x200;
	s29 =	simm.s32 $0x5050;
	v18 =	vmul.f32 v21, v20;
	v21 =	vperm.xlane v17, v3;
	v20 =	vadd.f32 v29, v59  }
.LBB2_7:
0x75: {  	p0 =	sne.s32 s31, $0x4E00  }
0x76: {  	v24 =	vperm.xlane v16, v3;
	v15 =	vadd.f32 v22, v15;
	v22 =	vperm.xlane v18, v1;
	s30 =	sadd.s32 $0x10, s30;
	s0 =	smov.u32 s31;
	s31 =	sadd.s32 $0x200, s31  }
0x77: {  	v17 =	vadd.f32 v21, v17;
	v21 =	vperm.xlane v20, v2;
	v19 =	vadd.f32 v23, v19  }
0x78: {  	v16 =	vadd.f32 v24, v16;
	v23 =	vperm.xlane v15, v2;
	v18 =	vadd.f32 v22, v18  }
0x79: {  	v22 =	vperm.xlane v17, v4;
	v20 =	vadd.f32 v21, v20;
	v21 =	vperm.xlane v19, v2  }
0x7a: {  	v24 =	vperm.xlane v16, v4;
	v15 =	vadd.f32 v23, v15;
	v23 =	vperm.xlane v18, v2  }
0x7b: {  	v17 =	vadd.f32 v22, v17;
	v22 =	vperm.xlane v20, v3;
	v19 =	vadd.f32 v21, v19  }
0x7c: {  	v16 =	vadd.f32 v24, v16;
	v21 =	vperm.xlane v15, v3;
	v18 =	vadd.f32 v23, v18  }
0x7d: {  	v17 =	vnsel vm0, $0x0, v17;
	v20 =	vadd.f32 v22, v20;
	v22 =	vperm.xlane v19, v3  }
0x7e: {  	v16 =	vsel vm1, v17, v16;
	v15 =	vadd.f32 v21, v15;
	v17 =	vperm.xlane v18, v3  }
0x7f: {  	v21 =	vperm.xlane v20, v4;
	v19 =	vadd.f32 v22, v19  }
0x80: {  	v22 =	vperm.xlane v15, v4;
	v17 =	vadd.f32 v17, v18  }
0x81: {  	v18 =	vadd.f32 v21, v20;
	v20 =	vperm.xlane v19, v4  }
0x82: {  	v15 =	vadd.f32 v22, v15;
	v21 =	vperm.xlane v17, v4  }
0x83: {  	v16 =	vsel vm2, v16, v18;
	v18 =	vadd.f32 v20, v19  }
0x84: {  	v13 =	vsel vm3, v16, v13;
	v16 =	vadd.f32 v21, v17  }
0x85: {  	v13 =	vsel vm4, v13, v14  }
0x86: {  	v13 =	vsel vm5, v13, v15  }
0x87: {  	v13 =	vsel vm6, v13, v18  }
0x88: {  	v13 =	vsel vm7, v13, v16  }
0x89: {  	s0 =	sshra.s32 s0, $0x2;
	v13 =	vmul.f32 $2.500000000e-01, v13;
	_ =	sdelay $0x1  }
0x8a: {  	v13 =	vmax.f32 v13, $-5.000000000e+00  }
0x8b: {  	v13 =	vmin.f32 v13, $5.000000000e+00  }
0x8c: {  	v13 =	vmul.f32 $1.442695020e+00, v13;
	_ =	sdelay $0x1  }
0x8d: {  	(erf) = vpow2.f32 v13;
	_ =	sdelay $0x8  }
0x8e: {  	v13 =	vpop (erf)  }
0x8f: {  	v13 =	vnsel vm8, $0x0, v13  }
0x90: {  	[tilespmem:s29+$0x0] =	vst v13;
	s29 =	smov.u32 s30  }
0x91: {  	v14 =	vld [tilespmem:s28+$0x2880]  }
0x92: {  	v15 =	vld [tilespmem:s28+$0x2890]  }
0x93: {  	v16 =	vld [tilespmem:s28+$0x2850]  }
0x94: {  	v17 =	vperm.xlane v13, v8;
	v18 =	vld [tilespmem:s28+$0x28C0]  }
0x95: {  	v20 =	vperm.xlane v13, v9;
	v19 =	vld [tilespmem:s28+$0x2870]  }
0x96: {  	v21 =	vperm.xlane v13, v5;
	v14 =	vmul.f32 v14, v17;
	v17 =	vld [tilespmem:s28+$0x28A0]  }
0x97: {  	v22 =	vperm.xlane v13, v12;
	v15 =	vmul.f32 v15, v20;
	v20 =	vld [tilespmem:s28+$0x28B0]  }
0x98: {  	v23 =	vperm.xlane v13, v7;
	v16 =	vmul.f32 v16, v21;
	v21 =	vld [tilespmem:s28+$0x2860];
	[tilespmem:s28+$0x1480] =	vst v14  }
0x99: {  	v14 =	vld [tilespmem:s0+$0x90];
	[tilespmem:s28+$0x1490] =	vst v15;
	v15 =	vperm.xlane v13, v10;
	v18 =	vmul.f32 v18, v22  }
0x9a: {  	v22 =	vld [tilespmem:s0+$0x50];
	[tilespmem:s28+$0x1450] =	vst v16;
	v16 =	vmul.f32 v19, v23;
	v19 =	vperm.xlane v13, v11  }
0x9b: {  	v13 =	vperm.xlane v13, v6;
	v23 =	vld [tilespmem:s0+$0x80];
	v15 =	vmul.f32 v17, v15;
	[tilespmem:s28+$0x14C0] =	vst v18  }
0x9c: {  	v17 =	vld [tilespmem:s0+$0x1480];
	[tilespmem:s28+$0x1470] =	vst v16;
	v16 =	vmul.f32 v20, v19  }
0x9d: {  	v13 =	vmul.f32 v21, v13;
	[tilespmem:s28+$0x14A0] =	vst v15  }
0x9e: {  	v15 =	vld [tilespmem:s0+$0x1490];
	[tilespmem:s28+$0x14B0] =	vst v16  }
0x9f: {  	v16 =	vld [tilespmem:s0+$0x3C80];
	[tilespmem:s28+$0x1460] =	vst v13;
	s28 =	smov.u32 s0  }
0xa0: {  	v13 =	vld [tilespmem:s28+$0x3C90];
	_ =	sdelay $0x1  }
0xa1: {  	v17 =	vmul.f32 v17, v23;
	v18 =	vld [tilespmem:s28+$0xB0]  }
0xa2: {  	v14 =	vmul.f32 v15, v14;
	v15 =	vld [tilespmem:s28+$0xA0]  }
0xa3: {  	v19 =	vld [tilespmem:s28+$0x3C70];
	v16 =	vmul.f32 v16, v17  }
0xa4: {  	v17 =	vld [tilespmem:s28+$0x70];
	v13 =	vmul.f32 v13, v14  }
0xa5: {  	v14 =	vld [tilespmem:s28+$0x60];
	v20 =	vperm.xlane v16, v1  }
0xa6: {  	v21 =	vld [tilespmem:s28+$0x1460];
	v23 =	vperm.xlane v13, v1  }
0xa7: {  	v24 =	vld [tilespmem:s28+$0x1450];
	v16 =	vadd.f32 v20, v16  }
0xa8: {  	v20 =	vld [tilespmem:s28+$0x1470];
	v13 =	vadd.f32 v23, v13  }
0xa9: {  	v23 =	vld [tilespmem:s28+$0x3C50];
	v25 =	vperm.xlane v16, v2  }
0xaa: {  	v26 =	vld [tilespmem:s28+$0x3C60];
	v27 =	vperm.xlane v13, v2  }
0xab: {  	v14 =	vmul.f32 v21, v14;
	v16 =	vadd.f32 v25, v16;
	v21 =	vld [tilespmem:s28+$0x14A0]  }
0xac: {  	v22 =	vmul.f32 v24, v22;
	v13 =	vadd.f32 v27, v13;
	v24 =	vld [tilespmem:s28+$0x14B0]  }
0xad: {  	v17 =	vmul.f32 v20, v17;
	v20 =	vperm.xlane v16, v3;
	v25 =	vld [tilespmem:s28+$0x14C0]  }
0xae: {  	v22 =	vmul.f32 v23, v22;
	v23 =	vperm.xlane v13, v3;
	v27 =	vld [tilespmem:s28+$0x3CA0]  }
0xaf: {  	v14 =	vmul.f32 v26, v14;
	v26 =	vmul.f32 v19, v17;
	v16 =	vadd.f32 v20, v16  }
0xb0: {  	v17 =	vperm.xlane v22, v1;
	v19 =	vadd.f32 v23, v13;
	v15 =	vmul.f32 v21, v15;
	v20 =	vld [tilespmem:s28+$0xC0]  }
0xb1: {  	v13 =	vperm.xlane v14, v1;
	v21 =	vperm.xlane v16, v4;
	v23 =	vld [tilespmem:s28+$0x3CB0]  }
0xb2: {  	v18 =	vmul.f32 v24, v18;
	v17 =	vadd.f32 v17, v22;
	v22 =	vperm.xlane v19, v4;
	v24 =	vld [tilespmem:s28+$0x3CC0]  }
0xb3: {  	v28 =	vadd.f32 v13, v14;
	v13 =	vadd.f32 v21, v16;
	v15 =	vmul.f32 v27, v15  }
.Ltmp2:
0xb4: {  	v27 =	vperm.xlane v26, v1;
	v16 =	vperm.xlane v17, v2;
	v14 =	vadd.f32 v22, v19;
	(pc) =	sbr.rel @p0 .LBB2_7-.Ltmp2, $4  }
0xb5: {  	v21 =	vperm.xlane v28, v2;
	v20 =	vmul.f32 v25, v20  }
0xb6: {  	v22 =	vperm.xlane v15, v1;
	v17 =	vadd.f32 v16, v17;
	v19 =	vmul.f32 v23, v18  }
0xb7: {  	v16 =	vadd.f32 v21, v28;
	v18 =	vmul.f32 v24, v20  }
0xb8: {  	v20 =	vadd.f32 v27, v26;
	v21 =	vperm.xlane v17, v3;
	v23 =	vperm.xlane v19, v1  }
0xb9: {  	_ = 	snop  }
0xba: {  	v24 =	vperm.xlane v20, v2  }
0xbb: {  	v15 =	vadd.f32 v22, v15;
	v35 =	vperm.xlane v18, v1  }
0xbc: {  	v19 =	vadd.f32 v23, v19;
	v20 =	vadd.f32 v24, v20  }
0xbd: {  	v36 =	vperm.xlane v16, v3;
	v37 =	vperm.xlane v15, v2;
	v18 =	vadd.f32 v35, v18  }
0xbe: {  	v17 =	vadd.f32 v21, v17;
	v38 =	vperm.xlane v19, v2;
	v39 =	vperm.xlane v20, v3  }
0xbf: {  	v16 =	vadd.f32 v36, v16;
	v15 =	vadd.f32 v37, v15;
	v40 =	vperm.xlane v18, v2  }
0xc0: {  	v41 =	vperm.xlane v17, v4;
	v19 =	vadd.f32 v38, v19;
	v20 =	vadd.f32 v39, v20  }
0xc1: {  	v42 =	vperm.xlane v16, v4;
	v43 =	vperm.xlane v15, v3;
	v18 =	vadd.f32 v40, v18  }
0xc2: {  	v17 =	vadd.f32 v41, v17;
	v44 =	vperm.xlane v19, v3;
	v45 =	vperm.xlane v20, v4  }
0xc3: {  	v16 =	vadd.f32 v42, v16;
	v15 =	vadd.f32 v43, v15;
	v46 =	vperm.xlane v18, v3  }
0xc4: {  	v17 =	vnsel vm0, $0x0, v17;
	v19 =	vadd.f32 v44, v19;
	v20 =	vadd.f32 v45, v20  }
0xc5: {  	v16 =	vsel vm1, v17, v16;
	v47 =	vperm.xlane v15, v4;
	v18 =	vadd.f32 v46, v18  }
0xc6: {  	v48 =	vperm.xlane v19, v4;
	v16 =	vsel vm2, v16, v20  }
0xc7: {  	v15 =	vadd.f32 v47, v15;
	v49 =	vperm.xlane v18, v4;
	v13 =	vsel vm3, v16, v13  }
0xc8: {  	v50 =	vadd.f32 v48, v19;
	v13 =	vsel vm4, v13, v14  }
0xc9: {  	v14 =	vadd.f32 v49, v18;
	v13 =	vsel vm5, v13, v15  }
0xca: {  	v13 =	vsel vm6, v13, v50  }
0xcb: {  	v13 =	vsel vm7, v13, v14  }
0xcc: {  	v13 =	vmul.f32 $2.500000000e-01, v13;
	_ =	sdelay $0x1  }
0xcd: {  	v13 =	vmax.f32 v13, $-5.000000000e+00  }
0xce: {  	v13 =	vmin.f32 v13, $5.000000000e+00  }
0xcf: {  	v13 =	vmul.f32 $1.442695020e+00, v13;
	_ =	sdelay $0x1  }
0xd0: {  	(erf) = vpow2.f32 v13;
	_ =	sdelay $0x8  }
0xd1: {  	v13 =	vpop (erf)  }
0xd2: {  	v13 =	vnsel vm8, $0x0, v13  }
0xd3: {  	[tilespmem:s29+$0x0] =	vst v13  }
0xd4: {  	v14 =	vld [tilespmem:s28+$0x2880]  }
0xd5: {  	v15 =	vld [tilespmem:s28+$0x2890]  }
0xd6: {  	v51 =	vld [tilespmem:s28+$0x2850]  }
0xd7: {  	v53 =	vperm.xlane v13, v8;
	v54 =	vld [tilespmem:s28+$0x2870]  }
0xd8: {  	v55 =	vperm.xlane v13, v9;
	v52 =	vld [tilespmem:s28+$0x28C0]  }
0xd9: {  	v57 =	vperm.xlane v13, v5;
	v56 =	vld [tilespmem:s28+$0x28A0];
	v14 =	vmul.f32 v14, v53  }
0xda: {  	v61 =	vperm.xlane v13, v7;
	v58 =	vld [tilespmem:s28+$0x28B0];
	v15 =	vmul.f32 v15, v55  }
0xdb: {  	v59 =	vperm.xlane v13, v12;
	v60 =	vld [tilespmem:s28+$0x2860];
	v16 =	vmul.f32 v51, v57;
	[tilespmem:s28+$0x1480] =	vst v14  }
0xdc: {  	v62 =	vmul.f32 v54, v61;
	[tilespmem:s28+$0x1490] =	vst v15;
	v14 =	vperm.xlane v13, v10  }
0xdd: {  	v63 =	vperm.xlane v13, v11;
	v15 =	vmul.f32 v52, v59;
	[tilespmem:s28+$0x1450] =	vst v16  }
0xde: {  	v13 =	vperm.xlane v13, v6;
	[tilespmem:s28+$0x1470] =	vst v62;
	v14 =	vmul.f32 v56, v14  }
0xdf: {  	[tilespmem:s28+$0x14C0] =	vst v15;
	v15 =	vmul.f32 v58, v63  }
0xe0: {  	v13 =	vmul.f32 v60, v13;
	[tilespmem:s28+$0x14A0] =	vst v14  }
0xe1: {  	[tilespmem:s28+$0x14B0] =	vst v15  }
0xe2: {  	[tilespmem:s28+$0x1460] =	vst v13  }
0xe3: {  	[spmem:s2] =	stream.indirect.scatter.add.f32 [tilespmem:s21], [sflag:$0x1], $0x80, s20, s20, $0xb8;
	[tilespmem:$0x1BAD0] =	vst v63  }
0xe4: {  	s26 =	sadd.s32 $0x1, s26  }
0xe5: {  	[spmem:s3] =	stream.indirect.scatter.add.f32 [tilespmem:s19], [sflag:$0x1], $0x10, s20, s20, $0xb8;
	[tilespmem:$0x1BAD0] =	vst v63  }
0xe6: {  	p0 =	sne.s32 s26, $0xFA;
	_ =	swait.ge [sflag:s18], $0x1400  }
.Ltmp3:
0xe7: {  	[sflag:s18] =	ssyncset.done $0x0;
	(pc) =	sbr.rel @p0 .LBB2_6-.Ltmp3, $4  }
0xe8: {  	[sflag:s18] =	ssyncadd.s32 $0xFFFFEC00  }
0xe9: {  	_ =	swait.ge [sflag:s18], $0x280  }
0xea: {  	[sflag:s18] =	ssyncset.done $0x0  }
0xeb: {  	[sflag:s18] =	ssyncadd.s32 $0xFFFFFD80  }
0xec: {  	[bflag:$0x0] =	sbarrier.arrive $0xFFFF  }
0xed: {  	[tilespmem:s17], [sflag:$0x1] =	stream.linear.gather [spmem:s14], $0x1400, $0x38;
	[tilespmem:$0x1BAD0] =	vst v63  }
0xee: {  	_ =	swait.ge [sflag:s18], $0x1400  }
0xef: {  	[sflag:s18] =	ssyncset.done $0x0  }
0xf0: {  	[sflag:s18] =	ssyncadd.s32 $0xFFFFEC00  }
0xf1: {  	[hbm4b:s16+s4] =	stream.linear.scatter [tilespmem:s17], [sflag:$0x1], $0x1400, $0x38;
	[tilespmem:$0x1BAD0] =	vst v63  }
0xf2: {  	_ =	swait.ge [sflag:s18], $0x1400  }
0xf3: {  	[sflag:s18] =	ssyncset.done $0x0  }
0xf4: {  	[sflag:s18] =	ssyncadd.s32 $0xFFFFEC00  }
0xf5: {  	[tilespmem:s19], [sflag:$0x1] =	stream.linear.gather [spmem:s13], $0x280, $0x38;
	[tilespmem:$0x1BAD0] =	vst v63  }
0xf6: {  	_ =	swait.ge [sflag:s18], $0x280  }
0xf7: {  	[sflag:s18] =	ssyncset.done $0x0  }
0xf8: {  	s0 =	sadd.s32 $0x0, s15;
	[sflag:s18] =	ssyncadd.s32 $0xFFFFFD80  }
0xf9: {  	[hbm4b:s0+s4] =	stream.linear.scatter [tilespmem:s19], [sflag:$0x1], $0x280, $0x38;
	[tilespmem:$0x1BAD0] =	vst v63  }
0xfa: {  	s25 =	sadd.s32 $0x280, s16;
	s26 =	smov.u32 s13;
	_ =	swait.ge [sflag:s18], $0x280  }
0xfb: {  	s28 =	smov.u32 s14;
	s0 =	simm.s32 $0x50;
	[sflag:s18] =	ssyncset.done $0x0  }
.LBB2_10:
0xfc: {  	[sflag:s18] =	ssyncadd.s32 $0xFFFFFD80  }
0xfd: {  	s26 =	sadd.s32 $0x280, s26;
	s28 =	sadd.s32 $0x1400, s28;
	s29 =	smov.u32 s0  }
0xfe: {  	[tilespmem:s17], [sflag:$0x1] =	stream.linear.gather [spmem:s28], $0x1400, $0x38;
	[tilespmem:$0x1BAD0] =	vst v63  }
0xff: {  	p0 =	sne.s32 s0, $0x4B0;
	s0 =	sadd.s32 $0x50, s0;
	_ =	swait.ge [sflag:s18], $0x1400  }
0x100: {  	[sflag:s18] =	ssyncset.done $0x0  }
0x101: {  	[sflag:s18] =	ssyncadd.s32 $0xFFFFEC00  }
0x102: {  	[hbm4b:s25+s4] =	stream.linear.scatter [tilespmem:s17], [sflag:$0x1], $0x1400, $0x38;
	[tilespmem:$0x1BAD0] =	vst v63  }
0x103: {  	_ =	swait.ge [sflag:s18], $0x1400  }
0x104: {  	[sflag:s18] =	ssyncset.done $0x0  }
0x105: {  	[sflag:s18] =	ssyncadd.s32 $0xFFFFEC00  }
0x106: {  	[tilespmem:s19], [sflag:$0x1] =	stream.linear.gather [spmem:s26], $0x280, $0x38;
	[tilespmem:$0x1BAD0] =	vst v63  }
0x107: {  	_ =	swait.ge [sflag:s18], $0x280  }
.Ltmp4:
0x108: {  	[sflag:s18] =	ssyncset.done $0x0;
	(pc) =	sbr.rel @p0 .LBB2_10-.Ltmp4, $4  }
0x109: {  	s29 =	sadd.s32 s29, s15;
	[sflag:s18] =	ssyncadd.s32 $0xFFFFFD80  }
0x10a: {  	[hbm4b:s29+s4] =	stream.linear.scatter [tilespmem:s19], [sflag:$0x1], $0x280, $0x38;
	[tilespmem:$0x1BAD0] =	vst v63  }
0x10b: {  	_ =	swait.ge [sflag:s18], $0x280  }
0x10c: {  	s25 =	sadd.s32 $0x280, s25;
	[sflag:s18] =	ssyncset.done $0x0  }
0x10d: {  	s24 =	sadd.s32 $0x1, s24  }
0x10e: {  	p0 =	sne.s32 s24, s12  }
.Ltmp5:
0x10f: {  	_ = 	snop;
	(pc) =	sbr.rel @p0 .LBB2_1-.Ltmp5, $2  }
0x110: {  	_ =	sdelay $0x2  }
0x111: {  	[sflag:s18] =	ssyncadd.s32 $0xFFFFFD80  }
0x112: {  	_ =	sfence.sel $0x180000  }
0x113: {  	[bflag:$0x0] =	sbarrier.arrive $0xFFFF  }
0x114: {  	_ =	strace $0x90000047  }
0x115: {  	[bflag:$0x2] =	sbarrier.arrive $0xFFFF  }
0x116: {  	p0 =	sne.s32 s5, $0x0;
	s0 =	rddreg [dreg:$0x4]  }
0x117: {  	s0 =	sadd.s32 @!p0 $0x100000, s0  }
0x118: {  	[sflag:s0] =	ssyncadd.tile.s32 @!p0 $0x1;
	_ =	shalt  }
.Lfunc_end2:
_tile_overlayer_lowered:
.L_overlay_start_2:
0x119: {  	(tag) =	ssettag $0x2  }
0x11a: {  	s0 =	rddreg [dreg:$0x0];
	s2 =	stileid.u32  }
0x11b: {  	s1 =	rddreg [dreg:$0x1];
	p0 =	sne.s32 s2, $0x0  }
0x11c: {  	s3 =	rddreg [dreg:$0x2];
	[bflag:$0x3] =	sbarrier.arrive $0xFFFF;
	s2 =	simm.s32 @!p0 $0x1C02  }
0x11d: {  	[timem:s3], [sflag:s2] =	dma.local @!p0 [hbm:s0], s1  }
0x11e: {  	s0 =	simm.s32 @!p0 $0x2  }
0x11f: {  	_ =	swait.ge @!p0 [sflag:s0], s1  }
0x120: {  	s1 =	ssub.s32 @!p0 $0x0, s1;
	[sflag:s0] =	ssyncset.done @!p0 $0x0  }
0x121: {  	[sflag:s0] =	ssyncadd.s32 @!p0 s1  }
0x122: {  	[bflag:$0x3] =	sbarrier.arrive $0xFFFF  }
0x123: {  	_ =	shalt  }

</sc_bundles>
